<compile_context>
chip_gen: v7x
topology: tpu7x:2x2x1
jax: 0.10.2.dev20260603
libtpu: 0.0.44.dev20260713+nightly
codegen_flags: <defaults>
</compile_context>

<pallas_src>
import functools

import numpy as np
import jax
import jax.numpy as jnp
from jax import lax
from jax.experimental import pallas as pl
from jax.experimental.pallas import tpu as pltpu
from jax.experimental.pallas import tpu_sc as plsc

H = W = 512
B = 64
NPIX = H * W
MAXR = 256
NBINS = 512
NCOLH = 256
NROWF = 256
NPIXF = NROWF * NCOLH



def _bitrev(n_bits):
    n = 1 << n_bits
    p = np.zeros(n, np.int64)
    for i in range(n):
        b = 0
        for k in range(n_bits):
            b |= ((i >> k) & 1) << (n_bits - 1 - k)
        p[i] = b
    return p


_PERM_NP = _bitrev(8)



def _dft_mats():
    j = np.arange(H, dtype=np.int64)
    jk = np.outer(j, j) % H
    ang = (2.0 * np.pi / H) * jk.astype(np.float64)
    fr = (np.cos(ang) / H).astype(np.float32)
    fi = (-np.sin(ang) / H).astype(np.float32)
    frh = np.ascontiguousarray(fr[:, :NCOLH][:, _PERM_NP])
    fih = np.ascontiguousarray(fi[:, :NCOLH][:, _PERM_NP])
    a = np.arange(256, dtype=np.int64)
    as2 = np.outer(a, a) % 256
    ang2 = (2.0 * np.pi / 256.0) * as2.astype(np.float64)
    f2r = (np.cos(ang2) / H).astype(np.float32)
    f2i = (-np.sin(ang2) / H).astype(np.float32)
    u = np.arange(256, dtype=np.float64)[:, None]
    wr = np.broadcast_to(np.cos(2.0 * np.pi * u / 512.0), (256, 256))
    wi = np.broadcast_to(-np.sin(2.0 * np.pi * u / 512.0), (256, 256))
    return (frh, fih, f2r, f2i,
            np.ascontiguousarray(wr).astype(np.float32),
            np.ascontiguousarray(wi).astype(np.float32))


_FRH_NP, _FIH_NP, _F2R_NP, _F2I_NP, _TWR_NP, _TWI_NP = _dft_mats()

_WCOL_NP = np.full((1, NCOLH), 2.0, np.float32)
_WCOL_NP[0, _PERM_NP == 0] = 1.0


def _radius_map():
    u = np.arange(H)
    d = ((u + H // 2) % H) - H // 2
    dy = d[:, None]
    dx = d[None, :]
    r = np.sqrt(dy * dy + dx * dx).astype(np.int64)
    return r.astype(np.int32)


_RMAP2D_NP = _radius_map()
_COUNTS_NP = np.bincount(
    _RMAP2D_NP.reshape(-1), minlength=NBINS).astype(np.float32)
_DYF_NP = np.concatenate([2 * np.arange(128), 2 * np.arange(128) + 1])
_DVF_NP = _PERM_NP
_RMAPH_NP = np.ascontiguousarray(
    np.sqrt(_DYF_NP[:, None] ** 2 + _DVF_NP[None, :] ** 2)
    .astype(np.int64).astype(np.int32)).reshape(-1)

_AE_NP = np.zeros((128, 256), np.float32)
_AO_NP = np.zeros((128, 256), np.float32)
for _k in range(128):
    _AE_NP[_k, _k] = 1.0
    if _k > 0:
        _AE_NP[_k, 256 - _k] += 1.0
    _AO_NP[_k, _k] = 1.0
    _AO_NP[_k, 255 - _k] += 1.0
_INVC_NP = np.zeros((1, MAXR), np.float32)
_INVC_NP[0, :] = 1.0 / _COUNTS_NP[:MAXR]

_M1_ROWS, _M1_COLS, _M1_WIDX = [], [], []
for _o in range(16):
    for _t in range(MAXR):
        for _k in range(3):
            _s = _t + _k - 1
            if 0 <= _s < MAXR:
                _M1_ROWS.append(_s)
                _M1_COLS.append(_o * MAXR + _t)
                _M1_WIDX.append(_o * 3 + _k)
_M1_ROWS = np.asarray(_M1_ROWS, np.int32)
_M1_COLS = np.asarray(_M1_COLS, np.int32)
_M1_WIDX = np.asarray(_M1_WIDX, np.int32)


def _edge_masks(rows, period):
    t = np.arange(rows) % period
    mp = (t != 0).astype(np.float32).reshape(rows, 1)
    ml = (t != period - 1).astype(np.float32).reshape(rows, 1)
    return mp, ml


_MP2_NP, _ML2_NP = _edge_masks(B * 128, 128)
_MP3_NP, _ML3_NP = _edge_masks(B * 64, 64)

_S_NP = np.zeros((B, B * 64), np.float32)
for _b in range(B):
    _S_NP[_b, _b * 64:(_b + 1) * 64] = 1.0 / 64.0



def _fft_mag_body(x_ref, frh_ref, fih_ref, f2r_ref, f2i_ref, twr_ref,
                  twi_ref, w_ref, ae_ref, ao_ref, out_ref):
    r = x_ref[0, 0]
    g = x_ref[0, 1]
    b = x_ref[0, 2]
    gray = 0.2989 * r + 0.587 * g + 0.114 * b
    dot = functools.partial(jnp.dot, preferred_element_type=jnp.float32)
    zr = dot(gray, frh_ref[...])
    zi = dot(gray, fih_ref[...])
    ar = zr[0:256] + zr[256:512]
    ai = zi[0:256] + zi[256:512]
    dr = zr[0:256] - zr[256:512]
    di = zi[0:256] - zi[256:512]
    twr = twr_ref[...]
    twi = twi_ref[...]
    br = twr * dr - twi * di
    bi = twr * di + twi * dr
    f2r = f2r_ref[...]
    f2i = f2i_ref[...]
    yer = dot(f2r, ar) - dot(f2i, ai)
    yei = dot(f2r, ai) + dot(f2i, ar)
    yor = dot(f2r, br) - dot(f2i, bi)
    yoi = dot(f2r, bi) + dot(f2i, br)
    w = w_ref[...]
    ye_mag = jnp.sqrt(yer * yer + yei * yei)
    yo_mag = jnp.sqrt(yor * yor + yoi * yoi)
    out_ref[0, 0:128] = dot(ae_ref[...], ye_mag) * w
    out_ref[0, 128:256] = dot(ao_ref[...], yo_mag) * w


def _fft_mag(x, frh, fih, f2r, f2i, twr, twi, wcol, ae, ao):
    nb = x.shape[0]
    return pl.pallas_call(
        _fft_mag_body,
        grid=(nb,),
        in_specs=[
            pl.BlockSpec((1, 3, H, W), lambda i: (i, 0, 0, 0)),
            pl.BlockSpec((H, NCOLH), lambda i: (0, 0)),
            pl.BlockSpec((H, NCOLH), lambda i: (0, 0)),
            pl.BlockSpec((256, 256), lambda i: (0, 0)),
            pl.BlockSpec((256, 256), lambda i: (0, 0)),
            pl.BlockSpec((256, 256), lambda i: (0, 0)),
            pl.BlockSpec((256, 256), lambda i: (0, 0)),
            pl.BlockSpec((1, NCOLH), lambda i: (0, 0)),
            pl.BlockSpec((128, 256), lambda i: (0, 0)),
            pl.BlockSpec((128, 256), lambda i: (0, 0)),
        ],
        out_specs=pl.BlockSpec((1, NROWF, NCOLH), lambda i: (i, 0, 0)),
        out_shape=jax.ShapeDtypeStruct((nb, NROWF, NCOLH), jnp.float32),
        compiler_params=pltpu.CompilerParams(
            dimension_semantics=("arbitrary",)),
    )(x, frh, fih, f2r, f2i, twr, twi, wcol, ae, ao)



_NC, _NS = 2, 16
_NW = _NC * _NS
_RCH = 64
_NCHUNK = NROWF // _RCH
_IMGS_PER_W = B // _NW


def _sc_hist_body(nimg, mag_hbm, rmap_hbm, out_hbm, idx_v, *vbufs):
    wid = lax.axis_index("s") * _NC + lax.axis_index("c")
    i0 = wid * nimg
    m_v = vbufs[:nimg]
    h_v = vbufs[nimg:]

    zero = jnp.zeros((16,), jnp.float32)

    def zbody(j, carry):
        for k in range(nimg):
            h_v[k][pl.ds(j * 16, 16)] = zero
        return carry

    lax.fori_loop(0, NBINS // 16, zbody, 0)

    def cbody(c, carry):
        r0 = c * _RCH
        pltpu.sync_copy(rmap_hbm.at[pl.ds(r0, _RCH), :], idx_v)
        for k in range(nimg):
            pltpu.sync_copy(mag_hbm.at[i0 + k, pl.ds(r0, _RCH), :], m_v[k])

        def ibody(r, icarry):
            for t in range(NCOLH // 16):
                sl = pl.ds(t * 16, 16)
                idx = idx_v[r, sl]
                for k in range(nimg):
                    plsc.addupdate_scatter(h_v[k], [idx], m_v[k][r, sl])
            return icarry

        lax.fori_loop(0, _RCH, ibody, 0)
        return carry

    lax.fori_loop(0, _NCHUNK, cbody, 0)
    for k in range(nimg):
        pltpu.sync_copy(h_v[k], out_hbm.at[i0 + k])


def _sc_hist(mag, rmap):
    nb = mag.shape[0]
    nimg = nb // _NW
    mesh = plsc.VectorSubcoreMesh(
        core_axis_name="c", subcore_axis_name="s",
        num_cores=_NC, num_subcores=_NS)
    kern = functools.partial(
        pl.kernel,
        out_type=jax.ShapeDtypeStruct((nb, NBINS), jnp.float32),
        mesh=mesh,
        scratch_types=[pltpu.VMEM((_RCH, NCOLH), jnp.int32)]
        + [pltpu.VMEM((_RCH, NCOLH), jnp.float32) for _ in range(nimg)]
        + [pltpu.VMEM((NBINS,), jnp.float32) for _ in range(nimg)],
        compiler_params=pltpu.CompilerParams(needs_layout_passes=False),
    )(functools.partial(_sc_hist_body, nimg))
    return kern(mag, rmap)




def _head1_body(sums_ref, invc_ref, m1_ref, b1_ref, out_ref):
    prof = sums_ref[:, :MAXR] * invc_ref[...]
    lg = jnp.log1p(prof)
    mn = jnp.min(lg, axis=1, keepdims=True)
    mx = jnp.max(lg, axis=1, keepdims=True)
    rng = mx - mn
    xn = jnp.where(rng > 0, (lg - mn) / rng, jnp.zeros_like(lg))
    h1 = jnp.dot(xn, m1_ref[...], preferred_element_type=jnp.float32)
    out_ref[...] = jnp.maximum(h1 + b1_ref[...], 0.0)


def _head1(sums, invc, m1, b1row):
    return pl.pallas_call(
        _head1_body,
        out_shape=jax.ShapeDtypeStruct((B, 16 * MAXR), jnp.float32),
    )(sums, invc, m1, b1row)


def _head2_body(xp_ref, w0_ref, w1_ref, w2_ref, b2_ref, mp_ref, ml_ref,
                out_ref):
    n = B * 128
    a = xp_ref[0:n]
    bm = xp_ref[1:n + 1]
    cm = xp_ref[2:n + 2]
    pprev = jnp.maximum(a[:, :16], a[:, 16:]) * mp_ref[...]
    pcent = jnp.maximum(bm[:, :16], bm[:, 16:])
    pnext = jnp.maximum(cm[:, :16], cm[:, 16:]) * ml_ref[...]
    h2 = (jnp.dot(pprev, w0_ref[...], preferred_element_type=jnp.float32)
          + jnp.dot(pcent, w1_ref[...], preferred_element_type=jnp.float32)
          + jnp.dot(pnext, w2_ref[...], preferred_element_type=jnp.float32))
    out_ref[...] = jnp.maximum(h2 + b2_ref[...], 0.0)


def _head2(xpad, w0, w1, w2, b2row, mp, ml):
    return pl.pallas_call(
        _head2_body,
        out_shape=jax.ShapeDtypeStruct((B * 128, 32), jnp.float32),
    )(xpad, w0, w1, w2, b2row, mp, ml)


def _head3_body(xp_ref, w0_ref, w1_ref, w2_ref, b3_ref, mp_ref, ml_ref,
                s_ref, wl_ref, bl_ref, out_ref):
    n = B * 64
    a = xp_ref[0:n]
    bm = xp_ref[1:n + 1]
    cm = xp_ref[2:n + 2]
    pprev = jnp.maximum(a[:, :32], a[:, 32:]) * mp_ref[...]
    pcent = jnp.maximum(bm[:, :32], bm[:, 32:])
    pnext = jnp.maximum(cm[:, :32], cm[:, 32:]) * ml_ref[...]
    h3 = (jnp.dot(pprev, w0_ref[...], preferred_element_type=jnp.float32)
          + jnp.dot(pcent, w1_ref[...], preferred_element_type=jnp.float32)
          + jnp.dot(pnext, w2_ref[...], preferred_element_type=jnp.float32))
    h3 = jnp.maximum(h3 + b3_ref[...], 0.0)
    proj = jnp.dot(h3, wl_ref[...], preferred_element_type=jnp.float32)
    out_ref[...] = (jnp.dot(s_ref[...], proj,
                            preferred_element_type=jnp.float32)
                    + bl_ref[...])


def _head3(xpad, w0, w1, w2, b3row, mp, ml, s, wlT, bl):
    return pl.pallas_call(
        _head3_body,
        out_shape=jax.ShapeDtypeStruct((B, 1), jnp.float32),
    )(xpad, w0, w1, w2, b3row, mp, ml, s, wlT, bl)




def kernel(x, W1, b1, W2, b2, W3, b3, Wl, bl):
    rmap = jnp.asarray(_RMAPH_NP.reshape(NROWF, NCOLH))
    invc = jnp.asarray(_INVC_NP)

    mag = _fft_mag(x, jnp.asarray(_FRH_NP), jnp.asarray(_FIH_NP),
                   jnp.asarray(_F2R_NP), jnp.asarray(_F2I_NP),
                   jnp.asarray(_TWR_NP), jnp.asarray(_TWI_NP),
                   jnp.asarray(_WCOL_NP), jnp.asarray(_AE_NP),
                   jnp.asarray(_AO_NP))
    sums = _sc_hist(mag, rmap)

    m1 = (jnp.zeros((MAXR, 16 * MAXR), jnp.float32)
          .at[jnp.asarray(_M1_ROWS), jnp.asarray(_M1_COLS)]
          .set(W1.reshape(-1)[jnp.asarray(_M1_WIDX)]))
    b1row = jnp.repeat(b1, MAXR).reshape(1, 16 * MAXR)

    h1 = _head1(sums, invc, m1, b1row)

    xpre = h1.reshape(B, 16, 128, 2).transpose(0, 2, 3, 1).reshape(B * 128, 32)
    xpad = jnp.pad(xpre, ((1, 1), (0, 0)))

    w2k = [W2[:, :, k].T for k in range(3)]
    b2row = b2.reshape(1, 32)
    h2 = _head2(xpad, w2k[0], w2k[1], w2k[2], b2row,
                jnp.asarray(_MP2_NP), jnp.asarray(_ML2_NP))

    xpre3 = h2.reshape(B, 64, 2, 32).reshape(B * 64, 64)
    xpad3 = jnp.pad(xpre3, ((1, 1), (0, 0)))

    w3k = [W3[:, :, k].T for k in range(3)]
    b3row = b3.reshape(1, 64)
    out = _head3(xpad3, w3k[0], w3k[1], w3k[2], b3row,
                 jnp.asarray(_MP3_NP), jnp.asarray(_ML3_NP),
                 jnp.asarray(_S_NP), Wl.T, bl.reshape(1, 1))
    return out

# --- scband reference (transcript-rebuilt; emitter-appended) ---
"""Pipeline reference for scband-radial-profile-model-86234353369344 (READ-ONLY COPY).

The authoritative reference and input builder live on the scoring server;
editing this copy changes nothing except your own understanding.
"""

import jax, jax.numpy as jnp
import numpy as np


def _radii(h, w):
    cy, cx = h // 2, w // 2
    y, x = np.meshgrid(np.arange(h), np.arange(w), indexing='ij')
    r = np.sqrt((x - cx) ** 2 + (y - cy) ** 2).astype(np.int64).flatten()
    return r, cx, cy


def setup_inputs(seed: int = 0) -> dict:
    key = jax.random.key(seed)
    ks = jax.random.split(key, 10)
    x = jax.random.normal(ks[0], (64, 3, 512, 512), dtype=jnp.float32)
    W1 = jax.random.normal(ks[1], (16, 1, 3), dtype=jnp.float32) * 0.1
    b1 = jnp.zeros((16,), dtype=jnp.float32)
    W2 = jax.random.normal(ks[2], (32, 16, 3), dtype=jnp.float32) * 0.1
    b2 = jnp.zeros((32,), dtype=jnp.float32)
    W3 = jax.random.normal(ks[3], (64, 32, 3), dtype=jnp.float32) * 0.1
    b3 = jnp.zeros((64,), dtype=jnp.float32)
    Wl = jax.random.normal(ks[4], (1, 64), dtype=jnp.float32) * 0.1
    bl = jnp.zeros((1,), dtype=jnp.float32)
    return {"x": x, "W1": W1, "b1": b1, "W2": W2, "b2": b2, "W3": W3, "b3": b3, "Wl": Wl, "bl": bl}


def _conv1d(xx, W, bb):
    out = jax.lax.conv_general_dilated(xx, W, window_strides=(1,), padding=((1, 1),), dimension_numbers=('NCH', 'OIH', 'NCH'))
    return out + bb[None, :, None]


def _maxpool2(xx):
    return jax.lax.reduce_window(xx, -jnp.inf, jax.lax.max, (1, 1, 2), (1, 1, 2), 'VALID')


def reference(x, W1, b1, W2, b2, W3, b3, Wl, bl):
    # rgb_to_grayscale (torchvision coefficients)
    gray = 0.2989 * x[:, 0] + 0.587 * x[:, 1] + 0.114 * x[:, 2]  # (B, H, W)
    fftc = jnp.fft.fft2(gray, norm='forward')
    fftc = jnp.fft.fftshift(fftc, axes=(-2, -1))
    mag = jnp.abs(fftc)  # (B, H, W)
    b, h, w = mag.shape
    radii_np, cx, cy = _radii(h, w)
    L = int(radii_np.max()) + 1
    radii = jnp.asarray(radii_np)
    counts = jnp.asarray(np.bincount(radii_np, minlength=L).astype(np.float32))
    mag_flat = mag.reshape(b, -1)
    ring_sums = jax.vmap(lambda m: jax.ops.segment_sum(m, radii, num_segments=L))(mag_flat)  # (B, L)
    radial_mean = jnp.where(counts[None, :] > 0, ring_sums / counts[None, :], jnp.zeros_like(ring_sums))
    max_radius = min(cx, cy)
    profiles = radial_mean[:, :max_radius][:, None, :]  # (B, 1, R)
    # _normalize_log_fft
    log_mag = jnp.log1p(profiles)
    mn = jnp.min(log_mag, axis=(-2, -1), keepdims=True)
    mx = jnp.max(log_mag, axis=(-2, -1), keepdims=True)
    rng = mx - mn
    normalized = jnp.where(rng > 0, (log_mag - mn) / rng, jnp.zeros_like(log_mag))
    # 1D CNN head
    h1 = _maxpool2(jax.nn.relu(_conv1d(normalized, W1, b1)))
    h2 = _maxpool2(jax.nn.relu(_conv1d(h1, W2, b2)))
    h3 = jax.nn.relu(_conv1d(h2, W3, b3))
    pooled = jnp.mean(h3, axis=-1)  # AdaptiveAvgPool1d(1) + Flatten -> (B, 64)
    return pooled @ Wl.T + bl[None, :]

if __name__ == "__main__":
    import jax
    _d = setup_inputs()
    print(jax.jit(kernel)(*tuple(_d.values())))

</pallas_src>

<mosaic_0001>
#map = affine_map<(d0, d1) -> (0, 0, 0)>
#map1 = affine_map<(d0, d1) -> (0, 0)>
module attributes {stable_mosaic.version = 14 : i64} {
  func.func @_sc_hist_body(%arg0: i32, %arg1: i32, %arg2: memref<64x256x256xf32, #tpu.memory_space<hbm>>, %arg3: memref<256x256xi32, #tpu.memory_space<hbm>>, %arg4: memref<64x512xf32, #tpu.memory_space<hbm>>, %arg5: memref<64x256xi32, #tpu.memory_space<vmem>>, %arg6: memref<64x256xf32, #tpu.memory_space<vmem>>, %arg7: memref<64x256xf32, #tpu.memory_space<vmem>>, %arg8: memref<512xf32, #tpu.memory_space<vmem>>, %arg9: memref<512xf32, #tpu.memory_space<vmem>>) attributes {dimension_semantics = [#tpu.dimension_semantics<core_parallel>, #tpu.dimension_semantics<subcore_parallel>], iteration_bounds = array<i64: 2, 16>, scalar_prefetch = 0 : i64, scratch_operands = 5 : i64, tpu.core_type = #tpu.core_type<sc_vector_subcore>, window_params = [{transform_indices = #map}, {transform_indices = #map1}, {transform_indices = #map1}]} {
    %mul3A = arith.constant 2 : i32
    %mul3A_0 = arith.muli %arg1, %mul3A : i32
    %add3A = arith.addi %mul3A_0, %arg0 : i32
    %mul3A_1 = arith.constant 2 : i32
    %mul3A_2 = arith.muli %add3A, %mul3A_1 : i32
    %broadcast_in_dim3A = arith.constant 0.000000e+00 : f32
    %broadcast_in_dim3A_3 = vector.broadcast %broadcast_in_dim3A : f32 to vector<16xf32>
    %scan3A = arith.constant 0 : i32
    %scan3A_4 = arith.constant 0 : i32
    %scan3A_5 = arith.constant 32 : i32
    %scan3A_6 = arith.addi %scan3A_4, %scan3A_5 : i32
    %scan3A_7 = arith.constant 1 : i32
    scf.for %scan3A_19 = %scan3A_4 to %scan3A_6 step %scan3A_7  : i32 {
      %mul3A_20 = arith.constant 16 : i32
      %mul3A_21 = arith.muli %scan3A_19, %mul3A_20 : i32
      %swap3A = arith.index_cast %mul3A_21 : i32 to index
      %swap3A_22 = tpu.vector_load %arg8[%swap3A] {strides = array<i32>} : memref<512xf32, #tpu.memory_space<vmem>>, vector<16xf32>,
      tpu.vector_store %arg8[%swap3A], %broadcast_in_dim3A_3 {strides = array<i32>} : memref<512xf32, #tpu.memory_space<vmem>>, vector<16xf32>,
      %mul3A_23 = arith.constant 16 : i32
      %mul3A_24 = arith.muli %scan3A_19, %mul3A_23 : i32
      %swap3A_25 = arith.index_cast %mul3A_24 : i32 to index
      %swap3A_26 = tpu.vector_load %arg9[%swap3A_25] {strides = array<i32>} : memref<512xf32, #tpu.memory_space<vmem>>, vector<16xf32>,
      tpu.vector_store %arg9[%swap3A_25], %broadcast_in_dim3A_3 {strides = array<i32>} : memref<512xf32, #tpu.memory_space<vmem>>, vector<16xf32>,
    }
    %scan3A_8 = arith.constant 32 : i32
    %scan3A_9 = arith.constant 0 : i32
    %scan3A_10 = arith.constant 0 : i32
    %scan3A_11 = arith.constant 4 : i32
    %scan3A_12 = arith.addi %scan3A_10, %scan3A_11 : i32
    %scan3A_13 = arith.constant 1 : i32
    scf.for %scan3A_19 = %scan3A_10 to %scan3A_12 step %scan3A_13  : i32 {
      %mul3A_20 = arith.constant 64 : i32
      %mul3A_21 = arith.muli %scan3A_19, %mul3A_20 : i32
      "tpu.region"() ({
        %run_scoped3A = tpu.sem_alloc : memref<!tpu.dma_semaphore, #tpu.memory_space<semaphore_mem>>
        %dma_start3A = arith.constant 0 : i32
        %dma_start3A_32 = tpu.memref_slice %arg3[%mul3A_21, %dma_start3A] : memref<256x256xi32, #tpu.memory_space<hbm>> -> memref<64x256xi32, #tpu.memory_space<hbm>>
        %dma_start3A_33 = arith.constant 0 : i32
        %dma_start3A_34 = tpu.memref_slice %arg3[%mul3A_21, %dma_start3A_33] : memref<256x256xi32, #tpu.memory_space<hbm>> -> memref<64x256xi32, #tpu.memory_space<hbm>>
        tpu.enqueue_dma source(%dma_start3A_34 : memref<64x256xi32, #tpu.memory_space<hbm>>) target(%arg5 : memref<64x256xi32, #tpu.memory_space<vmem>>) target_semaphore(%run_scoped3A : memref<!tpu.dma_semaphore, #tpu.memory_space<semaphore_mem>>)
        %dma_wait3A = arith.constant 0 : i32
        %dma_wait3A_35 = tpu.memref_slice %arg3[%mul3A_21, %dma_wait3A] : memref<256x256xi32, #tpu.memory_space<hbm>> -> memref<64x256xi32, #tpu.memory_space<hbm>>
        %dma_wait3A_36 = arith.constant 0 : i32
        %dma_wait3A_37 = tpu.memref_slice %arg3[%mul3A_21, %dma_wait3A_36] : memref<256x256xi32, #tpu.memory_space<hbm>> -> memref<64x256xi32, #tpu.memory_space<hbm>>
        tpu.wait_dma2 semaphore(%run_scoped3A : memref<!tpu.dma_semaphore, #tpu.memory_space<semaphore_mem>>) src(%dma_wait3A_37 : memref<64x256xi32, #tpu.memory_space<hbm>>) dst(%arg5 : memref<64x256xi32, #tpu.memory_space<vmem>>)
        tpu.yield
      }) : () -> ()
      %add3A_22 = arith.constant 0 : i32
      %add3A_23 = arith.addi %mul3A_2, %add3A_22 : i32
      "tpu.region"() ({
        %run_scoped3A = tpu.sem_alloc : memref<!tpu.dma_semaphore, #tpu.memory_space<semaphore_mem>>
        %dma_start3A = arith.constant 0 : i32
        %dma_start3A_32 = tpu.memref_slice %arg2[%add3A_23, %mul3A_21, %dma_start3A] : memref<64x256x256xf32, #tpu.memory_space<hbm>> -> memref<1x64x256xf32, #tpu.memory_space<hbm>>
        %dma_start3A_33 = tpu.memref_squeeze %dma_start3A_32 : memref<1x64x256xf32, #tpu.memory_space<hbm>> -> memref<64x256xf32, #tpu.memory_space<hbm>>
        %dma_start3A_34 = arith.constant 0 : i32
        %dma_start3A_35 = tpu.memref_slice %arg2[%add3A_23, %mul3A_21, %dma_start3A_34] : memref<64x256x256xf32, #tpu.memory_space<hbm>> -> memref<1x64x256xf32, #tpu.memory_space<hbm>>
        %dma_start3A_36 = tpu.memref_squeeze %dma_start3A_35 : memref<1x64x256xf32, #tpu.memory_space<hbm>> -> memref<64x256xf32, #tpu.memory_space<hbm>>
        tpu.enqueue_dma source(%dma_start3A_36 : memref<64x256xf32, #tpu.memory_space<hbm>>) target(%arg6 : memref<64x256xf32, #tpu.memory_space<vmem>>) target_semaphore(%run_scoped3A : memref<!tpu.dma_semaphore, #tpu.memory_space<semaphore_mem>>)
        %dma_wait3A = arith.constant 0 : i32
        %dma_wait3A_37 = tpu.memref_slice %arg2[%add3A_23, %mul3A_21, %dma_wait3A] : memref<64x256x256xf32, #tpu.memory_space<hbm>> -> memref<1x64x256xf32, #tpu.memory_space<hbm>>
        %dma_wait3A_38 = tpu.memref_squeeze %dma_wait3A_37 : memref<1x64x256xf32, #tpu.memory_space<hbm>> -> memref<64x256xf32, #tpu.memory_space<hbm>>
        %dma_wait3A_39 = arith.constant 0 : i32
        %dma_wait3A_40 = tpu.memref_slice %arg2[%add3A_23, %mul3A_21, %dma_wait3A_39] : memref<64x256x256xf32, #tpu.memory_space<hbm>> -> memref<1x64x256xf32, #tpu.memory_space<hbm>>
        %dma_wait3A_41 = tpu.memref_squeeze %dma_wait3A_40 : memref<1x64x256xf32, #tpu.memory_space<hbm>> -> memref<64x256xf32, #tpu.memory_space<hbm>>
        tpu.wait_dma2 semaphore(%run_scoped3A : memref<!tpu.dma_semaphore, #tpu.memory_space<semaphore_mem>>) src(%dma_wait3A_41 : memref<64x256xf32, #tpu.memory_space<hbm>>) dst(%arg6 : memref<64x256xf32, #tpu.memory_space<vmem>>)
        tpu.yield
      }) : () -> ()
      %add3A_24 = arith.constant 1 : i32
      %add3A_25 = arith.addi %mul3A_2, %add3A_24 : i32
      "tpu.region"() ({
        %run_scoped3A = tpu.sem_alloc : memref<!tpu.dma_semaphore, #tpu.memory_space<semaphore_mem>>
        %dma_start3A = arith.constant 0 : i32
        %dma_start3A_32 = tpu.memref_slice %arg2[%add3A_25, %mul3A_21, %dma_start3A] : memref<64x256x256xf32, #tpu.memory_space<hbm>> -> memref<1x64x256xf32, #tpu.memory_space<hbm>>
        %dma_start3A_33 = tpu.memref_squeeze %dma_start3A_32 : memref<1x64x256xf32, #tpu.memory_space<hbm>> -> memref<64x256xf32, #tpu.memory_space<hbm>>
        %dma_start3A_34 = arith.constant 0 : i32
        %dma_start3A_35 = tpu.memref_slice %arg2[%add3A_25, %mul3A_21, %dma_start3A_34] : memref<64x256x256xf32, #tpu.memory_space<hbm>> -> memref<1x64x256xf32, #tpu.memory_space<hbm>>
        %dma_start3A_36 = tpu.memref_squeeze %dma_start3A_35 : memref<1x64x256xf32, #tpu.memory_space<hbm>> -> memref<64x256xf32, #tpu.memory_space<hbm>>
        tpu.enqueue_dma source(%dma_start3A_36 : memref<64x256xf32, #tpu.memory_space<hbm>>) target(%arg7 : memref<64x256xf32, #tpu.memory_space<vmem>>) target_semaphore(%run_scoped3A : memref<!tpu.dma_semaphore, #tpu.memory_space<semaphore_mem>>)
        %dma_wait3A = arith.constant 0 : i32
        %dma_wait3A_37 = tpu.memref_slice %arg2[%add3A_25, %mul3A_21, %dma_wait3A] : memref<64x256x256xf32, #tpu.memory_space<hbm>> -> memref<1x64x256xf32, #tpu.memory_space<hbm>>
        %dma_wait3A_38 = tpu.memref_squeeze %dma_wait3A_37 : memref<1x64x256xf32, #tpu.memory_space<hbm>> -> memref<64x256xf32, #tpu.memory_space<hbm>>
        %dma_wait3A_39 = arith.constant 0 : i32
        %dma_wait3A_40 = tpu.memref_slice %arg2[%add3A_25, %mul3A_21, %dma_wait3A_39] : memref<64x256x256xf32, #tpu.memory_space<hbm>> -> memref<1x64x256xf32, #tpu.memory_space<hbm>>
        %dma_wait3A_41 = tpu.memref_squeeze %dma_wait3A_40 : memref<1x64x256xf32, #tpu.memory_space<hbm>> -> memref<64x256xf32, #tpu.memory_space<hbm>>
        tpu.wait_dma2 semaphore(%run_scoped3A : memref<!tpu.dma_semaphore, #tpu.memory_space<semaphore_mem>>) src(%dma_wait3A_41 : memref<64x256xf32, #tpu.memory_space<hbm>>) dst(%arg7 : memref<64x256xf32, #tpu.memory_space<vmem>>)
        tpu.yield
      }) : () -> ()
      %scan3A_26 = arith.constant 0 : i32
      %scan3A_27 = arith.constant 0 : i32
      %scan3A_28 = arith.constant 64 : i32
      %scan3A_29 = arith.addi %scan3A_27, %scan3A_28 : i32
      %scan3A_30 = arith.constant 1 : i32
      scf.for %scan3A_32 = %scan3A_27 to %scan3A_29 step %scan3A_30  : i32 {
        %get3A = arith.index_cast %scan3A_32 : i32 to index
        %get3A_33 = arith.constant 0 : index
        %get3A_34 = tpu.vector_load %arg5[%get3A, %get3A_33] {strides = array<i32>} : memref<64x256xi32, #tpu.memory_space<vmem>>, vector<16xi32>,
        %get3A_35 = arith.index_cast %scan3A_32 : i32 to index
        %get3A_36 = arith.constant 0 : index
        %get3A_37 = tpu.vector_load %arg6[%get3A_35, %get3A_36] {strides = array<i32>} : memref<64x256xf32, #tpu.memory_space<vmem>>, vector<16xf32>,
        tpu.vector_store_idx %arg8[%get3A_34], %get3A_37 {add = true} : memref<512xf32, #tpu.memory_space<vmem>>[vector<16xi32>], vector<16xf32>,
        %get3A_38 = arith.index_cast %scan3A_32 : i32 to index
        %get3A_39 = arith.constant 0 : index
        %get3A_40 = tpu.vector_load %arg7[%get3A_38, %get3A_39] {strides = array<i32>} : memref<64x256xf32, #tpu.memory_space<vmem>>, vector<16xf32>,
        tpu.vector_store_idx %arg9[%get3A_34], %get3A_40 {add = true} : memref<512xf32, #tpu.memory_space<vmem>>[vector<16xi32>], vector<16xf32>,
        %get3A_41 = arith.index_cast %scan3A_32 : i32 to index
        %get3A_42 = arith.constant 16 : index
        %get3A_43 = tpu.vector_load %arg5[%get3A_41, %get3A_42] {strides = array<i32>} : memref<64x256xi32, #tpu.memory_space<vmem>>, vector<16xi32>,
        %get3A_44 = arith.index_cast %scan3A_32 : i32 to index
        %get3A_45 = arith.constant 16 : index
        %get3A_46 = tpu.vector_load %arg6[%get3A_44, %get3A_45] {strides = array<i32>} : memref<64x256xf32, #tpu.memory_space<vmem>>, vector<16xf32>,
        tpu.vector_store_idx %arg8[%get3A_43], %get3A_46 {add = true} : memref<512xf32, #tpu.memory_space<vmem>>[vector<16xi32>], vector<16xf32>,
        %get3A_47 = arith.index_cast %scan3A_32 : i32 to index
        %get3A_48 = arith.constant 16 : index
        %get3A_49 = tpu.vector_load %arg7[%get3A_47, %get3A_48] {strides = array<i32>} : memref<64x256xf32, #tpu.memory_space<vmem>>, vector<16xf32>,
        tpu.vector_store_idx %arg9[%get3A_43], %get3A_49 {add = true} : memref<512xf32, #tpu.memory_space<vmem>>[vector<16xi32>], vector<16xf32>,
        %get3A_50 = arith.index_cast %scan3A_32 : i32 to index
        %get3A_51 = arith.constant 32 : index
        %get3A_52 = tpu.vector_load %arg5[%get3A_50, %get3A_51] {strides = array<i32>} : memref<64x256xi32, #tpu.memory_space<vmem>>, vector<16xi32>,
        %get3A_53 = arith.index_cast %scan3A_32 : i32 to index
        %get3A_54 = arith.constant 32 : index
        %get3A_55 = tpu.vector_load %arg6[%get3A_53, %get3A_54] {strides = array<i32>} : memref<64x256xf32, #tpu.memory_space<vmem>>, vector<16xf32>,
        tpu.vector_store_idx %arg8[%get3A_52], %get3A_55 {add = true} : memref<512xf32, #tpu.memory_space<vmem>>[vector<16xi32>], vector<16xf32>,
        %get3A_56 = arith.index_cast %scan3A_32 : i32 to index
        %get3A_57 = arith.constant 32 : index
        %get3A_58 = tpu.vector_load %arg7[%get3A_56, %get3A_57] {strides = array<i32>} : memref<64x256xf32, #tpu.memory_space<vmem>>, vector<16xf32>,
        tpu.vector_store_idx %arg9[%get3A_52], %get3A_58 {add = true} : memref<512xf32, #tpu.memory_space<vmem>>[vector<16xi32>], vector<16xf32>,
        %get3A_59 = arith.index_cast %scan3A_32 : i32 to index
        %get3A_60 = arith.constant 48 : index
        %get3A_61 = tpu.vector_load %arg5[%get3A_59, %get3A_60] {strides = array<i32>} : memref<64x256xi32, #tpu.memory_space<vmem>>, vector<16xi32>,
        %get3A_62 = arith.index_cast %scan3A_32 : i32 to index
        %get3A_63 = arith.constant 48 : index
        %get3A_64 = tpu.vector_load %arg6[%get3A_62, %get3A_63] {strides = array<i32>} : memref<64x256xf32, #tpu.memory_space<vmem>>, vector<16xf32>,
        tpu.vector_store_idx %arg8[%get3A_61], %get3A_64 {add = true} : memref<512xf32, #tpu.memory_space<vmem>>[vector<16xi32>], vector<16xf32>,
        %get3A_65 = arith.index_cast %scan3A_32 : i32 to index
        %get3A_66 = arith.constant 48 : index
        %get3A_67 = tpu.vector_load %arg7[%get3A_65, %get3A_66] {strides = array<i32>} : memref<64x256xf32, #tpu.memory_space<vmem>>, vector<16xf32>,
        tpu.vector_store_idx %arg9[%get3A_61], %get3A_67 {add = true} : memref<512xf32, #tpu.memory_space<vmem>>[vector<16xi32>], vector<16xf32>,
        %get3A_68 = arith.index_cast %scan3A_32 : i32 to index
        %get3A_69 = arith.constant 64 : index
        %get3A_70 = tpu.vector_load %arg5[%get3A_68, %get3A_69] {strides = array<i32>} : memref<64x256xi32, #tpu.memory_space<vmem>>, vector<16xi32>,
        %get3A_71 = arith.index_cast %scan3A_32 : i32 to index
        %get3A_72 = arith.constant 64 : index
        %get3A_73 = tpu.vector_load %arg6[%get3A_71, %get3A_72] {strides = array<i32>} : memref<64x256xf32, #tpu.memory_space<vmem>>, vector<16xf32>,
        tpu.vector_store_idx %arg8[%get3A_70], %get3A_73 {add = true} : memref<512xf32, #tpu.memory_space<vmem>>[vector<16xi32>], vector<16xf32>,
        %get3A_74 = arith.index_cast %scan3A_32 : i32 to index
        %get3A_75 = arith.constant 64 : index
        %get3A_76 = tpu.vector_load %arg7[%get3A_74, %get3A_75] {strides = array<i32>} : memref<64x256xf32, #tpu.memory_space<vmem>>, vector<16xf32>,
        tpu.vector_store_idx %arg9[%get3A_70], %get3A_76 {add = true} : memref<512xf32, #tpu.memory_space<vmem>>[vector<16xi32>], vector<16xf32>,
        %get3A_77 = arith.index_cast %scan3A_32 : i32 to index
        %get3A_78 = arith.constant 80 : index
        %get3A_79 = tpu.vector_load %arg5[%get3A_77, %get3A_78] {strides = array<i32>} : memref<64x256xi32, #tpu.memory_space<vmem>>, vector<16xi32>,
        %get3A_80 = arith.index_cast %scan3A_32 : i32 to index
        %get3A_81 = arith.constant 80 : index
        %get3A_82 = tpu.vector_load %arg6[%get3A_80, %get3A_81] {strides = array<i32>} : memref<64x256xf32, #tpu.memory_space<vmem>>, vector<16xf32>,
        tpu.vector_store_idx %arg8[%get3A_79], %get3A_82 {add = true} : memref<512xf32, #tpu.memory_space<vmem>>[vector<16xi32>], vector<16xf32>,
        %get3A_83 = arith.index_cast %scan3A_32 : i32 to index
        %get3A_84 = arith.constant 80 : index
        %get3A_85 = tpu.vector_load %arg7[%get3A_83, %get3A_84] {strides = array<i32>} : memref<64x256xf32, #tpu.memory_space<vmem>>, vector<16xf32>,
        tpu.vector_store_idx %arg9[%get3A_79], %get3A_85 {add = true} : memref<512xf32, #tpu.memory_space<vmem>>[vector<16xi32>], vector<16xf32>,
        %get3A_86 = arith.index_cast %scan3A_32 : i32 to index
        %get3A_87 = arith.constant 96 : index
        %get3A_88 = tpu.vector_load %arg5[%get3A_86, %get3A_87] {strides = array<i32>} : memref<64x256xi32, #tpu.memory_space<vmem>>, vector<16xi32>,
        %get3A_89 = arith.index_cast %scan3A_32 : i32 to index
        %get3A_90 = arith.constant 96 : index
        %get3A_91 = tpu.vector_load %arg6[%get3A_89, %get3A_90] {strides = array<i32>} : memref<64x256xf32, #tpu.memory_space<vmem>>, vector<16xf32>,
        tpu.vector_store_idx %arg8[%get3A_88], %get3A_91 {add = true} : memref<512xf32, #tpu.memory_space<vmem>>[vector<16xi32>], vector<16xf32>,
        %get3A_92 = arith.index_cast %scan3A_32 : i32 to index
        %get3A_93 = arith.constant 96 : index
        %get3A_94 = tpu.vector_load %arg7[%get3A_92, %get3A_93] {strides = array<i32>} : memref<64x256xf32, #tpu.memory_space<vmem>>, vector<16xf32>,
        tpu.vector_store_idx %arg9[%get3A_88], %get3A_94 {add = true} : memref<512xf32, #tpu.memory_space<vmem>>[vector<16xi32>], vector<16xf32>,
        %get3A_95 = arith.index_cast %scan3A_32 : i32 to index
        %get3A_96 = arith.constant 112 : index
        %get3A_97 = tpu.vector_load %arg5[%get3A_95, %get3A_96] {strides = array<i32>} : memref<64x256xi32, #tpu.memory_space<vmem>>, vector<16xi32>,
        %get3A_98 = arith.index_cast %scan3A_32 : i32 to index
        %get3A_99 = arith.constant 112 : index
        %get3A_100 = tpu.vector_load %arg6[%get3A_98, %get3A_99] {strides = array<i32>} : memref<64x256xf32, #tpu.memory_space<vmem>>, vector<16xf32>,
        tpu.vector_store_idx %arg8[%get3A_97], %get3A_100 {add = true} : memref<512xf32, #tpu.memory_space<vmem>>[vector<16xi32>], vector<16xf32>,
        %get3A_101 = arith.index_cast %scan3A_32 : i32 to index
        %get3A_102 = arith.constant 112 : index
        %get3A_103 = tpu.vector_load %arg7[%get3A_101, %get3A_102] {strides = array<i32>} : memref<64x256xf32, #tpu.memory_space<vmem>>, vector<16xf32>,
        tpu.vector_store_idx %arg9[%get3A_97], %get3A_103 {add = true} : memref<512xf32, #tpu.memory_space<vmem>>[vector<16xi32>], vector<16xf32>,
        %get3A_104 = arith.index_cast %scan3A_32 : i32 to index
        %get3A_105 = arith.constant 128 : index
        %get3A_106 = tpu.vector_load %arg5[%get3A_104, %get3A_105] {strides = array<i32>} : memref<64x256xi32, #tpu.memory_space<vmem>>, vector<16xi32>,
        %get3A_107 = arith.index_cast %scan3A_32 : i32 to index
        %get3A_108 = arith.constant 128 : index
        %get3A_109 = tpu.vector_load %arg6[%get3A_107, %get3A_108] {strides = array<i32>} : memref<64x256xf32, #tpu.memory_space<vmem>>, vector<16xf32>,
        tpu.vector_store_idx %arg8[%get3A_106], %get3A_109 {add = true} : memref<512xf32, #tpu.memory_space<vmem>>[vector<16xi32>], vector<16xf32>,
        %get3A_110 = arith.index_cast %scan3A_32 : i32 to index
        %get3A_111 = arith.constant 128 : index
        %get3A_112 = tpu.vector_load %arg7[%get3A_110, %get3A_111] {strides = array<i32>} : memref<64x256xf32, #tpu.memory_space<vmem>>, vector<16xf32>,
        tpu.vector_store_idx %arg9[%get3A_106], %get3A_112 {add = true} : memref<512xf32, #tpu.memory_space<vmem>>[vector<16xi32>], vector<16xf32>,
        %get3A_113 = arith.index_cast %scan3A_32 : i32 to index
        %get3A_114 = arith.constant 144 : index
        %get3A_115 = tpu.vector_load %arg5[%get3A_113, %get3A_114] {strides = array<i32>} : memref<64x256xi32, #tpu.memory_space<vmem>>, vector<16xi32>,
        %get3A_116 = arith.index_cast %scan3A_32 : i32 to index
        %get3A_117 = arith.constant 144 : index
        %get3A_118 = tpu.vector_load %arg6[%get3A_116, %get3A_117] {strides = array<i32>} : memref<64x256xf32, #tpu.memory_space<vmem>>, vector<16xf32>,
        tpu.vector_store_idx %arg8[%get3A_115], %get3A_118 {add = true} : memref<512xf32, #tpu.memory_space<vmem>>[vector<16xi32>], vector<16xf32>,
        %get3A_119 = arith.index_cast %scan3A_32 : i32 to index
        %get3A_120 = arith.constant 144 : index
        %get3A_121 = tpu.vector_load %arg7[%get3A_119, %get3A_120] {strides = array<i32>} : memref<64x256xf32, #tpu.memory_space<vmem>>, vector<16xf32>,
        tpu.vector_store_idx %arg9[%get3A_115], %get3A_121 {add = true} : memref<512xf32, #tpu.memory_space<vmem>>[vector<16xi32>], vector<16xf32>,
        %get3A_122 = arith.index_cast %scan3A_32 : i32 to index
        %get3A_123 = arith.constant 160 : index
        %get3A_124 = tpu.vector_load %arg5[%get3A_122, %get3A_123] {strides = array<i32>} : memref<64x256xi32, #tpu.memory_space<vmem>>, vector<16xi32>,
        %get3A_125 = arith.index_cast %scan3A_32 : i32 to index
        %get3A_126 = arith.constant 160 : index
        %get3A_127 = tpu.vector_load %arg6[%get3A_125, %get3A_126] {strides = array<i32>} : memref<64x256xf32, #tpu.memory_space<vmem>>, vector<16xf32>,
        tpu.vector_store_idx %arg8[%get3A_124], %get3A_127 {add = true} : memref<512xf32, #tpu.memory_space<vmem>>[vector<16xi32>], vector<16xf32>,
        %get3A_128 = arith.index_cast %scan3A_32 : i32 to index
        %get3A_129 = arith.constant 160 : index
        %get3A_130 = tpu.vector_load %arg7[%get3A_128, %get3A_129] {strides = array<i32>} : memref<64x256xf32, #tpu.memory_space<vmem>>, vector<16xf32>,
        tpu.vector_store_idx %arg9[%get3A_124], %get3A_130 {add = true} : memref<512xf32, #tpu.memory_space<vmem>>[vector<16xi32>], vector<16xf32>,
        %get3A_131 = arith.index_cast %scan3A_32 : i32 to index
        %get3A_132 = arith.constant 176 : index
        %get3A_133 = tpu.vector_load %arg5[%get3A_131, %get3A_132] {strides = array<i32>} : memref<64x256xi32, #tpu.memory_space<vmem>>, vector<16xi32>,
        %get3A_134 = arith.index_cast %scan3A_32 : i32 to index
        %get3A_135 = arith.constant 176 : index
        %get3A_136 = tpu.vector_load %arg6[%get3A_134, %get3A_135] {strides = array<i32>} : memref<64x256xf32, #tpu.memory_space<vmem>>, vector<16xf32>,
        tpu.vector_store_idx %arg8[%get3A_133], %get3A_136 {add = true} : memref<512xf32, #tpu.memory_space<vmem>>[vector<16xi32>], vector<16xf32>,
        %get3A_137 = arith.index_cast %scan3A_32 : i32 to index
        %get3A_138 = arith.constant 176 : index
        %get3A_139 = tpu.vector_load %arg7[%get3A_137, %get3A_138] {strides = array<i32>} : memref<64x256xf32, #tpu.memory_space<vmem>>, vector<16xf32>,
        tpu.vector_store_idx %arg9[%get3A_133], %get3A_139 {add = true} : memref<512xf32, #tpu.memory_space<vmem>>[vector<16xi32>], vector<16xf32>,
        %get3A_140 = arith.index_cast %scan3A_32 : i32 to index
        %get3A_141 = arith.constant 192 : index
        %get3A_142 = tpu.vector_load %arg5[%get3A_140, %get3A_141] {strides = array<i32>} : memref<64x256xi32, #tpu.memory_space<vmem>>, vector<16xi32>,
        %get3A_143 = arith.index_cast %scan3A_32 : i32 to index
        %get3A_144 = arith.constant 192 : index
        %get3A_145 = tpu.vector_load %arg6[%get3A_143, %get3A_144] {strides = array<i32>} : memref<64x256xf32, #tpu.memory_space<vmem>>, vector<16xf32>,
        tpu.vector_store_idx %arg8[%get3A_142], %get3A_145 {add = true} : memref<512xf32, #tpu.memory_space<vmem>>[vector<16xi32>], vector<16xf32>,
        %get3A_146 = arith.index_cast %scan3A_32 : i32 to index
        %get3A_147 = arith.constant 192 : index
        %get3A_148 = tpu.vector_load %arg7[%get3A_146, %get3A_147] {strides = array<i32>} : memref<64x256xf32, #tpu.memory_space<vmem>>, vector<16xf32>,
        tpu.vector_store_idx %arg9[%get3A_142], %get3A_148 {add = true} : memref<512xf32, #tpu.memory_space<vmem>>[vector<16xi32>], vector<16xf32>,
        %get3A_149 = arith.index_cast %scan3A_32 : i32 to index
        %get3A_150 = arith.constant 208 : index
        %get3A_151 = tpu.vector_load %arg5[%get3A_149, %get3A_150] {strides = array<i32>} : memref<64x256xi32, #tpu.memory_space<vmem>>, vector<16xi32>,
        %get3A_152 = arith.index_cast %scan3A_32 : i32 to index
        %get3A_153 = arith.constant 208 : index
        %get3A_154 = tpu.vector_load %arg6[%get3A_152, %get3A_153] {strides = array<i32>} : memref<64x256xf32, #tpu.memory_space<vmem>>, vector<16xf32>,
        tpu.vector_store_idx %arg8[%get3A_151], %get3A_154 {add = true} : memref<512xf32, #tpu.memory_space<vmem>>[vector<16xi32>], vector<16xf32>,
        %get3A_155 = arith.index_cast %scan3A_32 : i32 to index
        %get3A_156 = arith.constant 208 : index
        %get3A_157 = tpu.vector_load %arg7[%get3A_155, %get3A_156] {strides = array<i32>} : memref<64x256xf32, #tpu.memory_space<vmem>>, vector<16xf32>,
        tpu.vector_store_idx %arg9[%get3A_151], %get3A_157 {add = true} : memref<512xf32, #tpu.memory_space<vmem>>[vector<16xi32>], vector<16xf32>,
        %get3A_158 = arith.index_cast %scan3A_32 : i32 to index
        %get3A_159 = arith.constant 224 : index
        %get3A_160 = tpu.vector_load %arg5[%get3A_158, %get3A_159] {strides = array<i32>} : memref<64x256xi32, #tpu.memory_space<vmem>>, vector<16xi32>,
        %get3A_161 = arith.index_cast %scan3A_32 : i32 to index
        %get3A_162 = arith.constant 224 : index
        %get3A_163 = tpu.vector_load %arg6[%get3A_161, %get3A_162] {strides = array<i32>} : memref<64x256xf32, #tpu.memory_space<vmem>>, vector<16xf32>,
        tpu.vector_store_idx %arg8[%get3A_160], %get3A_163 {add = true} : memref<512xf32, #tpu.memory_space<vmem>>[vector<16xi32>], vector<16xf32>,
        %get3A_164 = arith.index_cast %scan3A_32 : i32 to index
        %get3A_165 = arith.constant 224 : index
        %get3A_166 = tpu.vector_load %arg7[%get3A_164, %get3A_165] {strides = array<i32>} : memref<64x256xf32, #tpu.memory_space<vmem>>, vector<16xf32>,
        tpu.vector_store_idx %arg9[%get3A_160], %get3A_166 {add = true} : memref<512xf32, #tpu.memory_space<vmem>>[vector<16xi32>], vector<16xf32>,
        %get3A_167 = arith.index_cast %scan3A_32 : i32 to index
        %get3A_168 = arith.constant 240 : index
        %get3A_169 = tpu.vector_load %arg5[%get3A_167, %get3A_168] {strides = array<i32>} : memref<64x256xi32, #tpu.memory_space<vmem>>, vector<16xi32>,
        %get3A_170 = arith.index_cast %scan3A_32 : i32 to index
        %get3A_171 = arith.constant 240 : index
        %get3A_172 = tpu.vector_load %arg6[%get3A_170, %get3A_171] {strides = array<i32>} : memref<64x256xf32, #tpu.memory_space<vmem>>, vector<16xf32>,
        tpu.vector_store_idx %arg8[%get3A_169], %get3A_172 {add = true} : memref<512xf32, #tpu.memory_space<vmem>>[vector<16xi32>], vector<16xf32>,
        %get3A_173 = arith.index_cast %scan3A_32 : i32 to index
        %get3A_174 = arith.constant 240 : index
        %get3A_175 = tpu.vector_load %arg7[%get3A_173, %get3A_174] {strides = array<i32>} : memref<64x256xf32, #tpu.memory_space<vmem>>, vector<16xf32>,
        tpu.vector_store_idx %arg9[%get3A_169], %get3A_175 {add = true} : memref<512xf32, #tpu.memory_space<vmem>>[vector<16xi32>], vector<16xf32>,
      }
      %scan3A_31 = arith.constant 64 : i32
    }
    %scan3A_14 = arith.constant 4 : i32
    %add3A_15 = arith.constant 0 : i32
    %add3A_16 = arith.addi %mul3A_2, %add3A_15 : i32
    "tpu.region"() ({
      %run_scoped3A = tpu.sem_alloc : memref<!tpu.dma_semaphore, #tpu.memory_space<semaphore_mem>>
      %dma_start3A = arith.constant 0 : i32
      %dma_start3A_19 = tpu.memref_slice %arg4[%add3A_16, %dma_start3A] : memref<64x512xf32, #tpu.memory_space<hbm>> -> memref<1x512xf32, #tpu.memory_space<hbm>>
      %dma_start3A_20 = tpu.memref_squeeze %dma_start3A_19 : memref<1x512xf32, #tpu.memory_space<hbm>> -> memref<512xf32, #tpu.memory_space<hbm>>
      %dma_start3A_21 = arith.constant 0 : i32
      %dma_start3A_22 = tpu.memref_slice %arg4[%add3A_16, %dma_start3A_21] : memref<64x512xf32, #tpu.memory_space<hbm>> -> memref<1x512xf32, #tpu.memory_space<hbm>>
      %dma_start3A_23 = tpu.memref_squeeze %dma_start3A_22 : memref<1x512xf32, #tpu.memory_space<hbm>> -> memref<512xf32, #tpu.memory_space<hbm>>
      tpu.enqueue_dma source(%arg8 : memref<512xf32, #tpu.memory_space<vmem>>) target(%dma_start3A_23 : memref<512xf32, #tpu.memory_space<hbm>>) target_semaphore(%run_scoped3A : memref<!tpu.dma_semaphore, #tpu.memory_space<semaphore_mem>>)
      %dma_wait3A = arith.constant 0 : i32
      %dma_wait3A_24 = tpu.memref_slice %arg4[%add3A_16, %dma_wait3A] : memref<64x512xf32, #tpu.memory_space<hbm>> -> memref<1x512xf32, #tpu.memory_space<hbm>>
      %dma_wait3A_25 = tpu.memref_squeeze %dma_wait3A_24 : memref<1x512xf32, #tpu.memory_space<hbm>> -> memref<512xf32, #tpu.memory_space<hbm>>
      %dma_wait3A_26 = arith.constant 0 : i32
      %dma_wait3A_27 = tpu.memref_slice %arg4[%add3A_16, %dma_wait3A_26] : memref<64x512xf32, #tpu.memory_space<hbm>> -> memref<1x512xf32, #tpu.memory_space<hbm>>
      %dma_wait3A_28 = tpu.memref_squeeze %dma_wait3A_27 : memref<1x512xf32, #tpu.memory_space<hbm>> -> memref<512xf32, #tpu.memory_space<hbm>>
      tpu.wait_dma2 semaphore(%run_scoped3A : memref<!tpu.dma_semaphore, #tpu.memory_space<semaphore_mem>>) src(%arg8 : memref<512xf32, #tpu.memory_space<vmem>>) dst(%dma_wait3A_28 : memref<512xf32, #tpu.memory_space<hbm>>)
      tpu.yield
    }) : () -> ()
    %add3A_17 = arith.constant 1 : i32
    %add3A_18 = arith.addi %mul3A_2, %add3A_17 : i32
    "tpu.region"() ({
      %run_scoped3A = tpu.sem_alloc : memref<!tpu.dma_semaphore, #tpu.memory_space<semaphore_mem>>
      %dma_start3A = arith.constant 0 : i32
      %dma_start3A_19 = tpu.memref_slice %arg4[%add3A_18, %dma_start3A] : memref<64x512xf32, #tpu.memory_space<hbm>> -> memref<1x512xf32, #tpu.memory_space<hbm>>
      %dma_start3A_20 = tpu.memref_squeeze %dma_start3A_19 : memref<1x512xf32, #tpu.memory_space<hbm>> -> memref<512xf32, #tpu.memory_space<hbm>>
      %dma_start3A_21 = arith.constant 0 : i32
      %dma_start3A_22 = tpu.memref_slice %arg4[%add3A_18, %dma_start3A_21] : memref<64x512xf32, #tpu.memory_space<hbm>> -> memref<1x512xf32, #tpu.memory_space<hbm>>
      %dma_start3A_23 = tpu.memref_squeeze %dma_start3A_22 : memref<1x512xf32, #tpu.memory_space<hbm>> -> memref<512xf32, #tpu.memory_space<hbm>>
      tpu.enqueue_dma source(%arg9 : memref<512xf32, #tpu.memory_space<vmem>>) target(%dma_start3A_23 : memref<512xf32, #tpu.memory_space<hbm>>) target_semaphore(%run_scoped3A : memref<!tpu.dma_semaphore, #tpu.memory_space<semaphore_mem>>)
      %dma_wait3A = arith.constant 0 : i32
      %dma_wait3A_24 = tpu.memref_slice %arg4[%add3A_18, %dma_wait3A] : memref<64x512xf32, #tpu.memory_space<hbm>> -> memref<1x512xf32, #tpu.memory_space<hbm>>
      %dma_wait3A_25 = tpu.memref_squeeze %dma_wait3A_24 : memref<1x512xf32, #tpu.memory_space<hbm>> -> memref<512xf32, #tpu.memory_space<hbm>>
      %dma_wait3A_26 = arith.constant 0 : i32
      %dma_wait3A_27 = tpu.memref_slice %arg4[%add3A_18, %dma_wait3A_26] : memref<64x512xf32, #tpu.memory_space<hbm>> -> memref<1x512xf32, #tpu.memory_space<hbm>>
      %dma_wait3A_28 = tpu.memref_squeeze %dma_wait3A_27 : memref<1x512xf32, #tpu.memory_space<hbm>> -> memref<512xf32, #tpu.memory_space<hbm>>
      tpu.wait_dma2 semaphore(%run_scoped3A : memref<!tpu.dma_semaphore, #tpu.memory_space<semaphore_mem>>) src(%arg9 : memref<512xf32, #tpu.memory_space<vmem>>) dst(%dma_wait3A_28 : memref<512xf32, #tpu.memory_space<hbm>>)
      tpu.yield
    }) : () -> ()
    return
  }
}

module attributes {stable_mosaic.version = 14 : i64} {
  func.func @_fft_mag_body(%arg0: i32, %arg1: memref<1x3x512x512xf32, #tpu.memory_space<vmem>>, %arg2: memref<512x256xf32, #tpu.memory_space<vmem>>, %arg3: memref<512x256xf32, #tpu.memory_space<vmem>>, %arg4: memref<256x256xf32, #tpu.memory_space<vmem>>, %arg5: memref<256x256xf32, #tpu.memory_space<vmem>>, %arg6: memref<256x256xf32, #tpu.memory_space<vmem>>, %arg7: memref<256x256xf32, #tpu.memory_space<vmem>>, %arg8: memref<1x256xf32, #tpu.memory_space<vmem>>, %arg9: memref<128x256xf32, #tpu.memory_space<vmem>>, %arg10: memref<128x256xf32, #tpu.memory_space<vmem>>, %arg11: memref<1x256x256xf32, #tpu.memory_space<vmem>>) attributes {dimension_semantics = [#tpu.dimension_semantics<arbitrary>], iteration_bounds = array<i64: 64>, scalar_prefetch = 0 : i64, scratch_operands = 0 : i64, tpu.core_type = #tpu.core_type<tc>, window_params = [{transform_indices = @transform_0, window_bounds = array<i64: 1, 3, 512, 512>}, {pipeline_mode = #tpu.pipeline_mode<synchronous>, transform_indices = @transform_1, window_bounds = array<i64: 512, 256>}, {pipeline_mode = #tpu.pipeline_mode<synchronous>, transform_indices = @transform_2, window_bounds = array<i64: 512, 256>}, {pipeline_mode = #tpu.pipeline_mode<synchronous>, transform_indices = @transform_3, window_bounds = array<i64: 256, 256>}, {pipeline_mode = #tpu.pipeline_mode<synchronous>, transform_indices = @transform_4, window_bounds = array<i64: 256, 256>}, {pipeline_mode = #tpu.pipeline_mode<synchronous>, transform_indices = @transform_5, window_bounds = array<i64: 256, 256>}, {pipeline_mode = #tpu.pipeline_mode<synchronous>, transform_indices = @transform_6, window_bounds = array<i64: 256, 256>}, {pipeline_mode = #tpu.pipeline_mode<synchronous>, transform_indices = @transform_7, window_bounds = array<i64: 1, 256>}, {pipeline_mode = #tpu.pipeline_mode<synchronous>, transform_indices = @transform_8, window_bounds = array<i64: 128, 256>}, {pipeline_mode = #tpu.pipeline_mode<synchronous>, transform_indices = @transform_9, window_bounds = array<i64: 128, 256>}, {transform_indices = @transform_10, window_bounds = array<i64: 1, 256, 256>}]} {
    %get3A = arith.constant 0 : index
    %get3A_0 = arith.constant 0 : index
    %get3A_1 = arith.constant 0 : index
    %get3A_2 = arith.constant 0 : index
    %get3A_3 = vector.load %arg1[%get3A, %get3A_0, %get3A_1, %get3A_2] : memref<1x3x512x512xf32, #tpu.memory_space<vmem>>, vector<1x1x512x512xf32>
    %get3A_4 = vector.shape_cast %get3A_3 : vector<1x1x512x512xf32> to vector<512x512xf32>
    %get3A_5 = arith.constant 0 : index
    %get3A_6 = arith.constant 1 : index
    %get3A_7 = arith.constant 0 : index
    %get3A_8 = arith.constant 0 : index
    %get3A_9 = vector.load %arg1[%get3A_5, %get3A_6, %get3A_7, %get3A_8] : memref<1x3x512x512xf32, #tpu.memory_space<vmem>>, vector<1x1x512x512xf32>
    %get3A_10 = vector.shape_cast %get3A_9 : vector<1x1x512x512xf32> to vector<512x512xf32>
    %get3A_11 = arith.constant 0 : index
    %get3A_12 = arith.constant 2 : index
    %get3A_13 = arith.constant 0 : index
    %get3A_14 = arith.constant 0 : index
    %get3A_15 = vector.load %arg1[%get3A_11, %get3A_12, %get3A_13, %get3A_14] : memref<1x3x512x512xf32, #tpu.memory_space<vmem>>, vector<1x1x512x512xf32>
    %get3A_16 = vector.shape_cast %get3A_15 : vector<1x1x512x512xf32> to vector<512x512xf32>
    %mul3A = arith.constant 2.989000e-01 : f32
    %mul3A_17 = vector.broadcast %mul3A : f32 to vector<512x512xf32>
    %mul3A_18 = arith.mulf %mul3A_17, %get3A_4 : vector<512x512xf32>
    %mul3A_19 = arith.constant 5.870000e-01 : f32
    %mul3A_20 = vector.broadcast %mul3A_19 : f32 to vector<512x512xf32>
    %mul3A_21 = arith.mulf %mul3A_20, %get3A_10 : vector<512x512xf32>
    %add3A = arith.addf %mul3A_18, %mul3A_21 : vector<512x512xf32>
    %mul3A_22 = arith.constant 1.140000e-01 : f32
    %mul3A_23 = vector.broadcast %mul3A_22 : f32 to vector<512x512xf32>
    %mul3A_24 = arith.mulf %mul3A_23, %get3A_16 : vector<512x512xf32>
    %add3A_25 = arith.addf %add3A, %mul3A_24 : vector<512x512xf32>
    %get3A_26 = arith.constant 0 : index
    %get3A_27 = arith.constant 0 : index
    %get3A_28 = vector.load %arg2[%get3A_26, %get3A_27] : memref<512x256xf32, #tpu.memory_space<vmem>>, vector<512x256xf32>
    %dot_general3A = arith.constant dense<0.000000e+00> : vector<512x256xf32>
    %dot_general3A_29 = tpu.matmul %add3A_25, %get3A_28, %dot_general3A {dimension_numbers = #tpu.dot_dimension_numbers<[1], [0], [0], [1], [0, 0, 1, 1], [], []>, transpose_lhs_hint = false} : vector<512x512xf32>, vector<512x256xf32>, vector<512x256xf32> -> vector<512x256xf32>
    %get3A_30 = arith.constant 0 : index
    %get3A_31 = arith.constant 0 : index
    %get3A_32 = vector.load %arg3[%get3A_30, %get3A_31] : memref<512x256xf32, #tpu.memory_space<vmem>>, vector<512x256xf32>
    %dot_general3A_33 = arith.constant dense<0.000000e+00> : vector<512x256xf32>
    %dot_general3A_34 = tpu.matmul %add3A_25, %get3A_32, %dot_general3A_33 {dimension_numbers = #tpu.dot_dimension_numbers<[1], [0], [0], [1], [0, 0, 1, 1], [], []>, transpose_lhs_hint = false} : vector<512x512xf32>, vector<512x256xf32>, vector<512x256xf32> -> vector<512x256xf32>
    %slice3A = vector.extract_strided_slice %dot_general3A_29 {offsets = [0, 0], sizes = [256, 256], strides = [1, 1]} : vector<512x256xf32> to vector<256x256xf32>
    %slice3A_35 = vector.extract_strided_slice %dot_general3A_29 {offsets = [256, 0], sizes = [256, 256], strides = [1, 1]} : vector<512x256xf32> to vector<256x256xf32>
    %add3A_36 = arith.addf %slice3A, %slice3A_35 : vector<256x256xf32>
    %slice3A_37 = vector.extract_strided_slice %dot_general3A_34 {offsets = [0, 0], sizes = [256, 256], strides = [1, 1]} : vector<512x256xf32> to vector<256x256xf32>
    %slice3A_38 = vector.extract_strided_slice %dot_general3A_34 {offsets = [256, 0], sizes = [256, 256], strides = [1, 1]} : vector<512x256xf32> to vector<256x256xf32>
    %add3A_39 = arith.addf %slice3A_37, %slice3A_38 : vector<256x256xf32>
    %slice3A_40 = vector.extract_strided_slice %dot_general3A_29 {offsets = [0, 0], sizes = [256, 256], strides = [1, 1]} : vector<512x256xf32> to vector<256x256xf32>
    %slice3A_41 = vector.extract_strided_slice %dot_general3A_29 {offsets = [256, 0], sizes = [256, 256], strides = [1, 1]} : vector<512x256xf32> to vector<256x256xf32>
    %sub3A = arith.subf %slice3A_40, %slice3A_41 : vector<256x256xf32>
    %slice3A_42 = vector.extract_strided_slice %dot_general3A_34 {offsets = [0, 0], sizes = [256, 256], strides = [1, 1]} : vector<512x256xf32> to vector<256x256xf32>
    %slice3A_43 = vector.extract_strided_slice %dot_general3A_34 {offsets = [256, 0], sizes = [256, 256], strides = [1, 1]} : vector<512x256xf32> to vector<256x256xf32>
    %sub3A_44 = arith.subf %slice3A_42, %slice3A_43 : vector<256x256xf32>
    %get3A_45 = arith.constant 0 : index
    %get3A_46 = arith.constant 0 : index
    %get3A_47 = vector.load %arg6[%get3A_45, %get3A_46] : memref<256x256xf32, #tpu.memory_space<vmem>>, vector<256x256xf32>
    %get3A_48 = arith.constant 0 : index
    %get3A_49 = arith.constant 0 : index
    %get3A_50 = vector.load %arg7[%get3A_48, %get3A_49] : memref<256x256xf32, #tpu.memory_space<vmem>>, vector<256x256xf32>
    %mul3A_51 = arith.mulf %get3A_47, %sub3A : vector<256x256xf32>
    %mul3A_52 = arith.mulf %get3A_50, %sub3A_44 : vector<256x256xf32>
    %sub3A_53 = arith.subf %mul3A_51, %mul3A_52 : vector<256x256xf32>
    %mul3A_54 = arith.mulf %get3A_47, %sub3A_44 : vector<256x256xf32>
    %mul3A_55 = arith.mulf %get3A_50, %sub3A : vector<256x256xf32>
    %add3A_56 = arith.addf %mul3A_54, %mul3A_55 : vector<256x256xf32>
    %get3A_57 = arith.constant 0 : index
    %get3A_58 = arith.constant 0 : index
    %get3A_59 = vector.load %arg4[%get3A_57, %get3A_58] : memref<256x256xf32, #tpu.memory_space<vmem>>, vector<256x256xf32>
    %get3A_60 = arith.constant 0 : index
    %get3A_61 = arith.constant 0 : index
    %get3A_62 = vector.load %arg5[%get3A_60, %get3A_61] : memref<256x256xf32, #tpu.memory_space<vmem>>, vector<256x256xf32>
    %dot_general3A_63 = arith.constant dense<0.000000e+00> : vector<256x256xf32>
    %dot_general3A_64 = tpu.matmul %get3A_59, %add3A_36, %dot_general3A_63 {dimension_numbers = #tpu.dot_dimension_numbers<[1], [0], [0], [1], [0, 0, 1, 1], [], []>, transpose_lhs_hint = false} : vector<256x256xf32>, vector<256x256xf32>, vector<256x256xf32> -> vector<256x256xf32>
    %dot_general3A_65 = arith.constant dense<0.000000e+00> : vector<256x256xf32>
    %dot_general3A_66 = tpu.matmul %get3A_62, %add3A_39, %dot_general3A_65 {dimension_numbers = #tpu.dot_dimension_numbers<[1], [0], [0], [1], [0, 0, 1, 1], [], []>, transpose_lhs_hint = false} : vector<256x256xf32>, vector<256x256xf32>, vector<256x256xf32> -> vector<256x256xf32>
    %sub3A_67 = arith.subf %dot_general3A_64, %dot_general3A_66 : vector<256x256xf32>
    %dot_general3A_68 = arith.constant dense<0.000000e+00> : vector<256x256xf32>
    %dot_general3A_69 = tpu.matmul %get3A_59, %add3A_39, %dot_general3A_68 {dimension_numbers = #tpu.dot_dimension_numbers<[1], [0], [0], [1], [0, 0, 1, 1], [], []>, transpose_lhs_hint = false} : vector<256x256xf32>, vector<256x256xf32>, vector<256x256xf32> -> vector<256x256xf32>
    %dot_general3A_70 = arith.constant dense<0.000000e+00> : vector<256x256xf32>
    %dot_general3A_71 = tpu.matmul %get3A_62, %add3A_36, %dot_general3A_70 {dimension_numbers = #tpu.dot_dimension_numbers<[1], [0], [0], [1], [0, 0, 1, 1], [], []>, transpose_lhs_hint = false} : vector<256x256xf32>, vector<256x256xf32>, vector<256x256xf32> -> vector<256x256xf32>
    %add3A_72 = arith.addf %dot_general3A_69, %dot_general3A_71 : vector<256x256xf32>
    %dot_general3A_73 = arith.constant dense<0.000000e+00> : vector<256x256xf32>
    %dot_general3A_74 = tpu.matmul %get3A_59, %sub3A_53, %dot_general3A_73 {dimension_numbers = #tpu.dot_dimension_numbers<[1], [0], [0], [1], [0, 0, 1, 1], [], []>, transpose_lhs_hint = false} : vector<256x256xf32>, vector<256x256xf32>, vector<256x256xf32> -> vector<256x256xf32>
    %dot_general3A_75 = arith.constant dense<0.000000e+00> : vector<256x256xf32>
    %dot_general3A_76 = tpu.matmul %get3A_62, %add3A_56, %dot_general3A_75 {dimension_numbers = #tpu.dot_dimension_numbers<[1], [0], [0], [1], [0, 0, 1, 1], [], []>, transpose_lhs_hint = false} : vector<256x256xf32>, vector<256x256xf32>, vector<256x256xf32> -> vector<256x256xf32>
    %sub3A_77 = arith.subf %dot_general3A_74, %dot_general3A_76 : vector<256x256xf32>
    %dot_general3A_78 = arith.constant dense<0.000000e+00> : vector<256x256xf32>
    %dot_general3A_79 = tpu.matmul %get3A_59, %add3A_56, %dot_general3A_78 {dimension_numbers = #tpu.dot_dimension_numbers<[1], [0], [0], [1], [0, 0, 1, 1], [], []>, transpose_lhs_hint = false} : vector<256x256xf32>, vector<256x256xf32>, vector<256x256xf32> -> vector<256x256xf32>
    %dot_general3A_80 = arith.constant dense<0.000000e+00> : vector<256x256xf32>
    %dot_general3A_81 = tpu.matmul %get3A_62, %sub3A_53, %dot_general3A_80 {dimension_numbers = #tpu.dot_dimension_numbers<[1], [0], [0], [1], [0, 0, 1, 1], [], []>, transpose_lhs_hint = false} : vector<256x256xf32>, vector<256x256xf32>, vector<256x256xf32> -> vector<256x256xf32>
    %add3A_82 = arith.addf %dot_general3A_79, %dot_general3A_81 : vector<256x256xf32>
    %get3A_83 = arith.constant 0 : index
    %get3A_84 = arith.constant 0 : index
    %get3A_85 = vector.load %arg8[%get3A_83, %get3A_84] : memref<1x256xf32, #tpu.memory_space<vmem>>, vector<1x256xf32>
    %mul3A_86 = arith.mulf %sub3A_67, %sub3A_67 : vector<256x256xf32>
    %mul3A_87 = arith.mulf %add3A_72, %add3A_72 : vector<256x256xf32>
    %add3A_88 = arith.addf %mul3A_86, %mul3A_87 : vector<256x256xf32>
    %sqrt3A = math.sqrt %add3A_88 : vector<256x256xf32>
    %mul3A_89 = arith.mulf %sub3A_77, %sub3A_77 : vector<256x256xf32>
    %mul3A_90 = arith.mulf %add3A_82, %add3A_82 : vector<256x256xf32>
    %add3A_91 = arith.addf %mul3A_89, %mul3A_90 : vector<256x256xf32>
    %sqrt3A_92 = math.sqrt %add3A_91 : vector<256x256xf32>
    %get3A_93 = arith.constant 0 : index
    %get3A_94 = arith.constant 0 : index
    %get3A_95 = vector.load %arg9[%get3A_93, %get3A_94] : memref<128x256xf32, #tpu.memory_space<vmem>>, vector<128x256xf32>
    %dot_general3A_96 = arith.constant dense<0.000000e+00> : vector<128x256xf32>
    %dot_general3A_97 = tpu.matmul %get3A_95, %sqrt3A, %dot_general3A_96 {dimension_numbers = #tpu.dot_dimension_numbers<[1], [0], [0], [1], [0, 0, 1, 1], [], []>, transpose_lhs_hint = false} : vector<128x256xf32>, vector<256x256xf32>, vector<128x256xf32> -> vector<128x256xf32>
    %mul3A_98 = vector.broadcast %get3A_85 : vector<1x256xf32> to vector<128x256xf32>
    %mul3A_99 = arith.mulf %dot_general3A_97, %mul3A_98 : vector<128x256xf32>
    %swap3A = arith.constant 0 : index
    %swap3A_100 = arith.constant 0 : index
    %swap3A_101 = arith.constant 0 : index
    %swap3A_102 = vector.load %arg11[%swap3A, %swap3A_100, %swap3A_101] : memref<1x256x256xf32, #tpu.memory_space<vmem>>, vector<1x128x256xf32>
    %swap3A_103 = vector.shape_cast %swap3A_102 : vector<1x128x256xf32> to vector<128x256xf32>
    %swap3A_104 = vector.shape_cast %mul3A_99 : vector<128x256xf32> to vector<1x128x256xf32>
    tpu.vector_store %arg11[%swap3A, %swap3A_100, %swap3A_101], %swap3A_104 {strides = array<i32>} : memref<1x256x256xf32, #tpu.memory_space<vmem>>, vector<1x128x256xf32>,
    %get3A_105 = arith.constant 0 : index
    %get3A_106 = arith.constant 0 : index
    %get3A_107 = vector.load %arg10[%get3A_105, %get3A_106] : memref<128x256xf32, #tpu.memory_space<vmem>>, vector<128x256xf32>
    %dot_general3A_108 = arith.constant dense<0.000000e+00> : vector<128x256xf32>
    %dot_general3A_109 = tpu.matmul %get3A_107, %sqrt3A_92, %dot_general3A_108 {dimension_numbers = #tpu.dot_dimension_numbers<[1], [0], [0], [1], [0, 0, 1, 1], [], []>, transpose_lhs_hint = false} : vector<128x256xf32>, vector<256x256xf32>, vector<128x256xf32> -> vector<128x256xf32>
    %mul3A_110 = vector.broadcast %get3A_85 : vector<1x256xf32> to vector<128x256xf32>
    %mul3A_111 = arith.mulf %dot_general3A_109, %mul3A_110 : vector<128x256xf32>
    %swap3A_112 = arith.constant 0 : index
    %swap3A_113 = arith.constant 128 : index
    %swap3A_114 = arith.constant 0 : index
    %swap3A_115 = vector.load %arg11[%swap3A_112, %swap3A_113, %swap3A_114] : memref<1x256x256xf32, #tpu.memory_space<vmem>>, vector<1x128x256xf32>
    %swap3A_116 = vector.shape_cast %swap3A_115 : vector<1x128x256xf32> to vector<128x256xf32>
    %swap3A_117 = vector.shape_cast %mul3A_111 : vector<128x256xf32> to vector<1x128x256xf32>
    tpu.vector_store %arg11[%swap3A_112, %swap3A_113, %swap3A_114], %swap3A_117 {strides = array<i32>} : memref<1x256x256xf32, #tpu.memory_space<vmem>>, vector<1x128x256xf32>,
    return
  }
  func.func @transform_0(%arg0: i32) -> (i32, i32, i32, i32) {
    %c0_i32 = arith.constant 0 : i32
    %c0_i32_0 = arith.constant 0 : i32
    %c0_i32_1 = arith.constant 0 : i32
    %c0_i32_2 = arith.constant 0 : i32
    return %arg0, %c0_i32, %c0_i32_0, %c0_i32_1 : i32, i32, i32, i32
  }
  func.func @transform_1(%arg0: i32) -> (i32, i32) {
    %c0_i32 = arith.constant 0 : i32
    %c0_i32_0 = arith.constant 0 : i32
    %c0_i32_1 = arith.constant 0 : i32
    return %c0_i32, %c0_i32_0 : i32, i32
  }
  func.func @transform_2(%arg0: i32) -> (i32, i32) {
    %c0_i32 = arith.constant 0 : i32
    %c0_i32_0 = arith.constant 0 : i32
    %c0_i32_1 = arith.constant 0 : i32
    return %c0_i32, %c0_i32_0 : i32, i32
  }
  func.func @transform_3(%arg0: i32) -> (i32, i32) {
    %c0_i32 = arith.constant 0 : i32
    %c0_i32_0 = arith.constant 0 : i32
    %c0_i32_1 = arith.constant 0 : i32
    return %c0_i32, %c0_i32_0 : i32, i32
  }
  func.func @transform_4(%arg0: i32) -> (i32, i32) {
    %c0_i32 = arith.constant 0 : i32
    %c0_i32_0 = arith.constant 0 : i32
    %c0_i32_1 = arith.constant 0 : i32
    return %c0_i32, %c0_i32_0 : i32, i32
  }
  func.func @transform_5(%arg0: i32) -> (i32, i32) {
    %c0_i32 = arith.constant 0 : i32
    %c0_i32_0 = arith.constant 0 : i32
    %c0_i32_1 = arith.constant 0 : i32
    return %c0_i32, %c0_i32_0 : i32, i32
  }
  func.func @transform_6(%arg0: i32) -> (i32, i32) {
    %c0_i32 = arith.constant 0 : i32
    %c0_i32_0 = arith.constant 0 : i32
    %c0_i32_1 = arith.constant 0 : i32
    return %c0_i32, %c0_i32_0 : i32, i32
  }
  func.func @transform_7(%arg0: i32) -> (i32, i32) {
    %c0_i32 = arith.constant 0 : i32
    %c0_i32_0 = arith.constant 0 : i32
    %c0_i32_1 = arith.constant 0 : i32
    return %c0_i32, %c0_i32_0 : i32, i32
  }
  func.func @transform_8(%arg0: i32) -> (i32, i32) {
    %c0_i32 = arith.constant 0 : i32
    %c0_i32_0 = arith.constant 0 : i32
    %c0_i32_1 = arith.constant 0 : i32
    return %c0_i32, %c0_i32_0 : i32, i32
  }
  func.func @transform_9(%arg0: i32) -> (i32, i32) {
    %c0_i32 = arith.constant 0 : i32
    %c0_i32_0 = arith.constant 0 : i32
    %c0_i32_1 = arith.constant 0 : i32
    return %c0_i32, %c0_i32_0 : i32, i32
  }
  func.func @transform_10(%arg0: i32) -> (i32, i32, i32) {
    %c0_i32 = arith.constant 0 : i32
    %c0_i32_0 = arith.constant 0 : i32
    %c0_i32_1 = arith.constant 0 : i32
    return %arg0, %c0_i32, %c0_i32_0 : i32, i32, i32
  }
}

module attributes {stable_mosaic.version = 14 : i64} {
  func.func @_head1_body(%arg0: memref<64x512xf32, #tpu.memory_space<vmem>>, %arg1: memref<1x256xf32, #tpu.memory_space<vmem>>, %arg2: memref<256x4096xf32, #tpu.memory_space<vmem>>, %arg3: memref<1x4096xf32, #tpu.memory_space<vmem>>, %arg4: memref<64x4096xf32, #tpu.memory_space<vmem>>) attributes {dimension_semantics = [], scalar_prefetch = 0 : i64, scratch_operands = 0 : i64, tpu.core_type = #tpu.core_type<tc>} {
    %get3A = arith.constant 0 : index
    %get3A_0 = arith.constant 0 : index
    %get3A_1 = vector.load %arg0[%get3A, %get3A_0] : memref<64x512xf32, #tpu.memory_space<vmem>>, vector<64x256xf32>
    %get3A_2 = arith.constant 0 : index
    %get3A_3 = arith.constant 0 : index
    %get3A_4 = vector.load %arg1[%get3A_2, %get3A_3] : memref<1x256xf32, #tpu.memory_space<vmem>>, vector<1x256xf32>
    %mul3A = vector.broadcast %get3A_4 : vector<1x256xf32> to vector<64x256xf32>
    %mul3A_5 = arith.mulf %get3A_1, %mul3A : vector<64x256xf32>
    %log1p3A = math.log1p %mul3A_5 : vector<64x256xf32>
    %reduce_min3A = arith.constant dense<0x7F800000> : vector<64xf32>
    %reduce_min3A_6 = vector.multi_reduction <minimumf>, %log1p3A, %reduce_min3A [1] : vector<64x256xf32> to vector<64xf32>
    %broadcast_in_dim3A = vector.shape_cast %reduce_min3A_6 : vector<64xf32> to vector<64x1xf32>
    %reduce_max3A = arith.constant dense<0xFF800000> : vector<64xf32>
    %reduce_max3A_7 = vector.multi_reduction <maximumf>, %log1p3A, %reduce_max3A [1] : vector<64x256xf32> to vector<64xf32>
    %broadcast_in_dim3A_8 = vector.shape_cast %reduce_max3A_7 : vector<64xf32> to vector<64x1xf32>
    %sub3A = arith.subf %broadcast_in_dim3A_8, %broadcast_in_dim3A : vector<64x1xf32>
    %gt3A = arith.constant 0.000000e+00 : f32
    %gt3A_9 = vector.broadcast %gt3A : f32 to vector<64x1xf32>
    %gt3A_10 = arith.cmpf ogt, %sub3A, %gt3A_9 : vector<64x1xf32>
    %sub3A_11 = vector.broadcast %broadcast_in_dim3A : vector<64x1xf32> to vector<64x256xf32>
    %sub3A_12 = arith.subf %log1p3A, %sub3A_11 : vector<64x256xf32>
    %div3A = vector.broadcast %sub3A : vector<64x1xf32> to vector<64x256xf32>
    %div3A_13 = arith.divf %sub3A_12, %div3A : vector<64x256xf32>
    %broadcast_in_dim3A_14 = arith.constant 0.000000e+00 : f32
    %broadcast_in_dim3A_15 = vector.broadcast %broadcast_in_dim3A_14 : f32 to vector<64x256xf32>
    %broadcast_in_dim3A_16 = vector.shape_cast %gt3A_10 : vector<64x1xi1> to vector<64x1xi1>
    %broadcast_in_dim3A_17 = vector.broadcast %broadcast_in_dim3A_16 : vector<64x1xi1> to vector<64x256xi1>
    %select_n3A = arith.select %broadcast_in_dim3A_17, %div3A_13, %broadcast_in_dim3A_15 : vector<64x256xi1>, vector<64x256xf32>
    %get3A_18 = arith.constant 0 : index
    %get3A_19 = arith.constant 0 : index
    %get3A_20 = vector.load %arg2[%get3A_18, %get3A_19] : memref<256x4096xf32, #tpu.memory_space<vmem>>, vector<256x4096xf32>
    %dot_general3A = arith.constant dense<0.000000e+00> : vector<64x4096xf32>
    %dot_general3A_21 = tpu.matmul %select_n3A, %get3A_20, %dot_general3A {dimension_numbers = #tpu.dot_dimension_numbers<[1], [0], [0], [1], [0, 0, 1, 1], [], []>, transpose_lhs_hint = false} : vector<64x256xf32>, vector<256x4096xf32>, vector<64x4096xf32> -> vector<64x4096xf32>
    %get3A_22 = arith.constant 0 : index
    %get3A_23 = arith.constant 0 : index
    %get3A_24 = vector.load %arg3[%get3A_22, %get3A_23] : memref<1x4096xf32, #tpu.memory_space<vmem>>, vector<1x4096xf32>
    %add3A = vector.broadcast %get3A_24 : vector<1x4096xf32> to vector<64x4096xf32>
    %add3A_25 = arith.addf %dot_general3A_21, %add3A : vector<64x4096xf32>
    %max3A = arith.constant 0.000000e+00 : f32
    %max3A_26 = vector.broadcast %max3A : f32 to vector<64x4096xf32>
    %max3A_27 = arith.maximumf %add3A_25, %max3A_26 : vector<64x4096xf32>
    %swap3A = arith.constant 0 : index
    %swap3A_28 = arith.constant 0 : index
    %swap3A_29 = vector.load %arg4[%swap3A, %swap3A_28] : memref<64x4096xf32, #tpu.memory_space<vmem>>, vector<64x4096xf32>
    tpu.vector_store %arg4[%swap3A, %swap3A_28], %max3A_27 {strides = array<i32>} : memref<64x4096xf32, #tpu.memory_space<vmem>>, vector<64x4096xf32>,
    return
  }
}

module attributes {stable_mosaic.version = 14 : i64} {
  func.func @_head2_body(%arg0: memref<8194x32xf32, #tpu.memory_space<vmem>>, %arg1: memref<16x32xf32, #tpu.memory_space<vmem>>, %arg2: memref<16x32xf32, #tpu.memory_space<vmem>>, %arg3: memref<16x32xf32, #tpu.memory_space<vmem>>, %arg4: memref<1x32xf32, #tpu.memory_space<vmem>>, %arg5: memref<8192x1xf32, #tpu.memory_space<vmem>>, %arg6: memref<8192x1xf32, #tpu.memory_space<vmem>>, %arg7: memref<8192x32xf32, #tpu.memory_space<vmem>>) attributes {dimension_semantics = [], scalar_prefetch = 0 : i64, scratch_operands = 0 : i64, tpu.core_type = #tpu.core_type<tc>} {
    %get3A = arith.constant 0 : index
    %get3A_0 = arith.constant 0 : index
    %get3A_1 = vector.load %arg0[%get3A, %get3A_0] : memref<8194x32xf32, #tpu.memory_space<vmem>>, vector<8192x32xf32>
    %get3A_2 = arith.constant 1 : index
    %get3A_3 = arith.constant 0 : index
    %get3A_4 = vector.load %arg0[%get3A_2, %get3A_3] : memref<8194x32xf32, #tpu.memory_space<vmem>>, vector<8192x32xf32>
    %get3A_5 = arith.constant 2 : index
    %get3A_6 = arith.constant 0 : index
    %get3A_7 = vector.load %arg0[%get3A_5, %get3A_6] : memref<8194x32xf32, #tpu.memory_space<vmem>>, vector<8192x32xf32>
    %slice3A = vector.extract_strided_slice %get3A_1 {offsets = [0, 0], sizes = [8192, 16], strides = [1, 1]} : vector<8192x32xf32> to vector<8192x16xf32>
    %slice3A_8 = vector.extract_strided_slice %get3A_1 {offsets = [0, 16], sizes = [8192, 16], strides = [1, 1]} : vector<8192x32xf32> to vector<8192x16xf32>
    %max3A = arith.maximumf %slice3A, %slice3A_8 : vector<8192x16xf32>
    %get3A_9 = arith.constant 0 : index
    %get3A_10 = arith.constant 0 : index
    %get3A_11 = vector.load %arg5[%get3A_9, %get3A_10] : memref<8192x1xf32, #tpu.memory_space<vmem>>, vector<8192x1xf32>
    %mul3A = vector.broadcast %get3A_11 : vector<8192x1xf32> to vector<8192x16xf32>
    %mul3A_12 = arith.mulf %max3A, %mul3A : vector<8192x16xf32>
    %slice3A_13 = vector.extract_strided_slice %get3A_4 {offsets = [0, 0], sizes = [8192, 16], strides = [1, 1]} : vector<8192x32xf32> to vector<8192x16xf32>
    %slice3A_14 = vector.extract_strided_slice %get3A_4 {offsets = [0, 16], sizes = [8192, 16], strides = [1, 1]} : vector<8192x32xf32> to vector<8192x16xf32>
    %max3A_15 = arith.maximumf %slice3A_13, %slice3A_14 : vector<8192x16xf32>
    %slice3A_16 = vector.extract_strided_slice %get3A_7 {offsets = [0, 0], sizes = [8192, 16], strides = [1, 1]} : vector<8192x32xf32> to vector<8192x16xf32>
    %slice3A_17 = vector.extract_strided_slice %get3A_7 {offsets = [0, 16], sizes = [8192, 16], strides = [1, 1]} : vector<8192x32xf32> to vector<8192x16xf32>
    %max3A_18 = arith.maximumf %slice3A_16, %slice3A_17 : vector<8192x16xf32>
    %get3A_19 = arith.constant 0 : index
    %get3A_20 = arith.constant 0 : index
    %get3A_21 = vector.load %arg6[%get3A_19, %get3A_20] : memref<8192x1xf32, #tpu.memory_space<vmem>>, vector<8192x1xf32>
    %mul3A_22 = vector.broadcast %get3A_21 : vector<8192x1xf32> to vector<8192x16xf32>
    %mul3A_23 = arith.mulf %max3A_18, %mul3A_22 : vector<8192x16xf32>
    %get3A_24 = arith.constant 0 : index
    %get3A_25 = arith.constant 0 : index
    %get3A_26 = vector.load %arg1[%get3A_24, %get3A_25] : memref<16x32xf32, #tpu.memory_space<vmem>>, vector<16x32xf32>
    %dot_general3A = arith.constant dense<0.000000e+00> : vector<8192x32xf32>
    %dot_general3A_27 = tpu.matmul %mul3A_12, %get3A_26, %dot_general3A {dimension_numbers = #tpu.dot_dimension_numbers<[1], [0], [0], [1], [0, 0, 1, 1], [], []>, transpose_lhs_hint = false} : vector<8192x16xf32>, vector<16x32xf32>, vector<8192x32xf32> -> vector<8192x32xf32>
    %get3A_28 = arith.constant 0 : index
    %get3A_29 = arith.constant 0 : index
    %get3A_30 = vector.load %arg2[%get3A_28, %get3A_29] : memref<16x32xf32, #tpu.memory_space<vmem>>, vector<16x32xf32>
    %dot_general3A_31 = arith.constant dense<0.000000e+00> : vector<8192x32xf32>
    %dot_general3A_32 = tpu.matmul %max3A_15, %get3A_30, %dot_general3A_31 {dimension_numbers = #tpu.dot_dimension_numbers<[1], [0], [0], [1], [0, 0, 1, 1], [], []>, transpose_lhs_hint = false} : vector<8192x16xf32>, vector<16x32xf32>, vector<8192x32xf32> -> vector<8192x32xf32>
    %add3A = arith.addf %dot_general3A_27, %dot_general3A_32 : vector<8192x32xf32>
    %get3A_33 = arith.constant 0 : index
    %get3A_34 = arith.constant 0 : index
    %get3A_35 = vector.load %arg3[%get3A_33, %get3A_34] : memref<16x32xf32, #tpu.memory_space<vmem>>, vector<16x32xf32>
    %dot_general3A_36 = arith.constant dense<0.000000e+00> : vector<8192x32xf32>
    %dot_general3A_37 = tpu.matmul %mul3A_23, %get3A_35, %dot_general3A_36 {dimension_numbers = #tpu.dot_dimension_numbers<[1], [0], [0], [1], [0, 0, 1, 1], [], []>, transpose_lhs_hint = false} : vector<8192x16xf32>, vector<16x32xf32>, vector<8192x32xf32> -> vector<8192x32xf32>
    %add3A_38 = arith.addf %add3A, %dot_general3A_37 : vector<8192x32xf32>
    %get3A_39 = arith.constant 0 : index
    %get3A_40 = arith.constant 0 : index
    %get3A_41 = vector.load %arg4[%get3A_39, %get3A_40] : memref<1x32xf32, #tpu.memory_space<vmem>>, vector<1x32xf32>
    %add3A_42 = vector.broadcast %get3A_41 : vector<1x32xf32> to vector<8192x32xf32>
    %add3A_43 = arith.addf %add3A_38, %add3A_42 : vector<8192x32xf32>
    %max3A_44 = arith.constant 0.000000e+00 : f32
    %max3A_45 = vector.broadcast %max3A_44 : f32 to vector<8192x32xf32>
    %max3A_46 = arith.maximumf %add3A_43, %max3A_45 : vector<8192x32xf32>
    %swap3A = arith.constant 0 : index
    %swap3A_47 = arith.constant 0 : index
    %swap3A_48 = vector.load %arg7[%swap3A, %swap3A_47] : memref<8192x32xf32, #tpu.memory_space<vmem>>, vector<8192x32xf32>
    tpu.vector_store %arg7[%swap3A, %swap3A_47], %max3A_46 {strides = array<i32>} : memref<8192x32xf32, #tpu.memory_space<vmem>>, vector<8192x32xf32>,
    return
  }
}

module attributes {stable_mosaic.version = 14 : i64} {
  func.func @_head3_body(%arg0: memref<4098x64xf32, #tpu.memory_space<vmem>>, %arg1: memref<32x64xf32, #tpu.memory_space<vmem>>, %arg2: memref<32x64xf32, #tpu.memory_space<vmem>>, %arg3: memref<32x64xf32, #tpu.memory_space<vmem>>, %arg4: memref<1x64xf32, #tpu.memory_space<vmem>>, %arg5: memref<4096x1xf32, #tpu.memory_space<vmem>>, %arg6: memref<4096x1xf32, #tpu.memory_space<vmem>>, %arg7: memref<64x4096xf32, #tpu.memory_space<vmem>>, %arg8: memref<64x1xf32, #tpu.memory_space<vmem>>, %arg9: memref<1x1xf32, #tpu.memory_space<vmem>>, %arg10: memref<64x1xf32, #tpu.memory_space<vmem>>) attributes {dimension_semantics = [], scalar_prefetch = 0 : i64, scratch_operands = 0 : i64, tpu.core_type = #tpu.core_type<tc>} {
    %get3A = arith.constant 0 : index
    %get3A_0 = arith.constant 0 : index
    %get3A_1 = vector.load %arg0[%get3A, %get3A_0] : memref<4098x64xf32, #tpu.memory_space<vmem>>, vector<4096x64xf32>
    %get3A_2 = arith.constant 1 : index
    %get3A_3 = arith.constant 0 : index
    %get3A_4 = vector.load %arg0[%get3A_2, %get3A_3] : memref<4098x64xf32, #tpu.memory_space<vmem>>, vector<4096x64xf32>
    %get3A_5 = arith.constant 2 : index
    %get3A_6 = arith.constant 0 : index
    %get3A_7 = vector.load %arg0[%get3A_5, %get3A_6] : memref<4098x64xf32, #tpu.memory_space<vmem>>, vector<4096x64xf32>
    %slice3A = vector.extract_strided_slice %get3A_1 {offsets = [0, 0], sizes = [4096, 32], strides = [1, 1]} : vector<4096x64xf32> to vector<4096x32xf32>
    %slice3A_8 = vector.extract_strided_slice %get3A_1 {offsets = [0, 32], sizes = [4096, 32], strides = [1, 1]} : vector<4096x64xf32> to vector<4096x32xf32>
    %max3A = arith.maximumf %slice3A, %slice3A_8 : vector<4096x32xf32>
    %get3A_9 = arith.constant 0 : index
    %get3A_10 = arith.constant 0 : index
    %get3A_11 = vector.load %arg5[%get3A_9, %get3A_10] : memref<4096x1xf32, #tpu.memory_space<vmem>>, vector<4096x1xf32>
    %mul3A = vector.broadcast %get3A_11 : vector<4096x1xf32> to vector<4096x32xf32>
    %mul3A_12 = arith.mulf %max3A, %mul3A : vector<4096x32xf32>
    %slice3A_13 = vector.extract_strided_slice %get3A_4 {offsets = [0, 0], sizes = [4096, 32], strides = [1, 1]} : vector<4096x64xf32> to vector<4096x32xf32>
    %slice3A_14 = vector.extract_strided_slice %get3A_4 {offsets = [0, 32], sizes = [4096, 32], strides = [1, 1]} : vector<4096x64xf32> to vector<4096x32xf32>
    %max3A_15 = arith.maximumf %slice3A_13, %slice3A_14 : vector<4096x32xf32>
    %slice3A_16 = vector.extract_strided_slice %get3A_7 {offsets = [0, 0], sizes = [4096, 32], strides = [1, 1]} : vector<4096x64xf32> to vector<4096x32xf32>
    %slice3A_17 = vector.extract_strided_slice %get3A_7 {offsets = [0, 32], sizes = [4096, 32], strides = [1, 1]} : vector<4096x64xf32> to vector<4096x32xf32>
    %max3A_18 = arith.maximumf %slice3A_16, %slice3A_17 : vector<4096x32xf32>
    %get3A_19 = arith.constant 0 : index
    %get3A_20 = arith.constant 0 : index
    %get3A_21 = vector.load %arg6[%get3A_19, %get3A_20] : memref<4096x1xf32, #tpu.memory_space<vmem>>, vector<4096x1xf32>
    %mul3A_22 = vector.broadcast %get3A_21 : vector<4096x1xf32> to vector<4096x32xf32>
    %mul3A_23 = arith.mulf %max3A_18, %mul3A_22 : vector<4096x32xf32>
    %get3A_24 = arith.constant 0 : index
    %get3A_25 = arith.constant 0 : index
    %get3A_26 = vector.load %arg1[%get3A_24, %get3A_25] : memref<32x64xf32, #tpu.memory_space<vmem>>, vector<32x64xf32>
    %dot_general3A = arith.constant dense<0.000000e+00> : vector<4096x64xf32>
    %dot_general3A_27 = tpu.matmul %mul3A_12, %get3A_26, %dot_general3A {dimension_numbers = #tpu.dot_dimension_numbers<[1], [0], [0], [1], [0, 0, 1, 1], [], []>, transpose_lhs_hint = false} : vector<4096x32xf32>, vector<32x64xf32>, vector<4096x64xf32> -> vector<4096x64xf32>
    %get3A_28 = arith.constant 0 : index
    %get3A_29 = arith.constant 0 : index
    %get3A_30 = vector.load %arg2[%get3A_28, %get3A_29] : memref<32x64xf32, #tpu.memory_space<vmem>>, vector<32x64xf32>
    %dot_general3A_31 = arith.constant dense<0.000000e+00> : vector<4096x64xf32>
    %dot_general3A_32 = tpu.matmul %max3A_15, %get3A_30, %dot_general3A_31 {dimension_numbers = #tpu.dot_dimension_numbers<[1], [0], [0], [1], [0, 0, 1, 1], [], []>, transpose_lhs_hint = false} : vector<4096x32xf32>, vector<32x64xf32>, vector<4096x64xf32> -> vector<4096x64xf32>
    %add3A = arith.addf %dot_general3A_27, %dot_general3A_32 : vector<4096x64xf32>
    %get3A_33 = arith.constant 0 : index
    %get3A_34 = arith.constant 0 : index
    %get3A_35 = vector.load %arg3[%get3A_33, %get3A_34] : memref<32x64xf32, #tpu.memory_space<vmem>>, vector<32x64xf32>
    %dot_general3A_36 = arith.constant dense<0.000000e+00> : vector<4096x64xf32>
    %dot_general3A_37 = tpu.matmul %mul3A_23, %get3A_35, %dot_general3A_36 {dimension_numbers = #tpu.dot_dimension_numbers<[1], [0], [0], [1], [0, 0, 1, 1], [], []>, transpose_lhs_hint = false} : vector<4096x32xf32>, vector<32x64xf32>, vector<4096x64xf32> -> vector<4096x64xf32>
    %add3A_38 = arith.addf %add3A, %dot_general3A_37 : vector<4096x64xf32>
    %get3A_39 = arith.constant 0 : index
    %get3A_40 = arith.constant 0 : index
    %get3A_41 = vector.load %arg4[%get3A_39, %get3A_40] : memref<1x64xf32, #tpu.memory_space<vmem>>, vector<1x64xf32>
    %add3A_42 = vector.broadcast %get3A_41 : vector<1x64xf32> to vector<4096x64xf32>
    %add3A_43 = arith.addf %add3A_38, %add3A_42 : vector<4096x64xf32>
    %max3A_44 = arith.constant 0.000000e+00 : f32
    %max3A_45 = vector.broadcast %max3A_44 : f32 to vector<4096x64xf32>
    %max3A_46 = arith.maximumf %add3A_43, %max3A_45 : vector<4096x64xf32>
    %get3A_47 = arith.constant 0 : index
    %get3A_48 = arith.constant 0 : index
    %get3A_49 = vector.load %arg8[%get3A_47, %get3A_48] : memref<64x1xf32, #tpu.memory_space<vmem>>, vector<64x1xf32>
    %dot_general3A_50 = arith.constant dense<0.000000e+00> : vector<4096x1xf32>
    %dot_general3A_51 = tpu.matmul %max3A_46, %get3A_49, %dot_general3A_50 {dimension_numbers = #tpu.dot_dimension_numbers<[1], [0], [0], [1], [0, 0, 1, 1], [], []>, transpose_lhs_hint = false} : vector<4096x64xf32>, vector<64x1xf32>, vector<4096x1xf32> -> vector<4096x1xf32>
    %get3A_52 = arith.constant 0 : index
    %get3A_53 = arith.constant 0 : index
    %get3A_54 = vector.load %arg7[%get3A_52, %get3A_53] : memref<64x4096xf32, #tpu.memory_space<vmem>>, vector<64x4096xf32>
    %dot_general3A_55 = arith.constant dense<0.000000e+00> : vector<64x1xf32>
    %dot_general3A_56 = tpu.matmul %get3A_54, %dot_general3A_51, %dot_general3A_55 {dimension_numbers = #tpu.dot_dimension_numbers<[1], [0], [0], [1], [0, 0, 1, 1], [], []>, transpose_lhs_hint = false} : vector<64x4096xf32>, vector<4096x1xf32>, vector<64x1xf32> -> vector<64x1xf32>
    %get3A_57 = arith.constant 0 : index
    %get3A_58 = arith.constant 0 : index
    %get3A_59 = vector.load %arg9[%get3A_57, %get3A_58] : memref<1x1xf32, #tpu.memory_space<vmem>>, vector<1x1xf32>
    %add3A_60 = vector.broadcast %get3A_59 : vector<1x1xf32> to vector<64x1xf32>
    %add3A_61 = arith.addf %dot_general3A_56, %add3A_60 : vector<64x1xf32>
    %swap3A = arith.constant 0 : index
    %swap3A_62 = arith.constant 0 : index
    %swap3A_63 = vector.load %arg10[%swap3A, %swap3A_62] : memref<64x1xf32, #tpu.memory_space<vmem>>, vector<64x1xf32>
    tpu.vector_store %arg10[%swap3A, %swap3A_62], %add3A_61 {strides = array<i32>} : memref<64x1xf32, #tpu.memory_space<vmem>>, vector<64x1xf32>,
    return
  }
}

</mosaic_0001>

<sc_bundles>
// kernel: kernel.7.cloned.1.call-start
scs
__scs_entry_jumppad:
0x0: {  	(pc) =	sbr.rel $0x88, $3  }
0x1: {  	(tag) =	ssettag $0x0;
	lr =	simm.s32 $0x1  }
0x2: {  	[smem:$0x3F98] =	sst lr;
	_ =	strace $0xD0000000  }
0x3: {  	_ = 	snop  }
0x4: {  	_ = 	snop  }
0x5: {  	_ = 	snop  }
0x6: {  	_ = 	snop  }
0x7: {  	_ = 	snop  }
__scs_overlays_trampoline_lowered:
0x8: {  	[smem:$0x3FA7] =	sst s0  }
0x9: {  	[smem:$0x3FA8] =	sst s1  }
0xa: {  	[smem:$0x3FA9] =	sst s2  }
0xb: {  	[smem:$0x3FAA] =	sst s3  }
0xc: {  	[smem:$0x3FAB] =	sst s4  }
0xd: {  	[smem:$0x3FAC] =	sst s5  }
0xe: {  	[smem:$0x3FAD] =	sst s6  }
0xf: {  	[smem:$0x3FAE] =	sst s7  }
0x10: {  	[smem:$0x3FAF] =	sst s8  }
0x11: {  	[smem:$0x3FB0] =	sst s9;
	s0 =	simm.s32 @!p0 $0x0  }
0x12: {  	s1 =	sld [smem:$0x3F96];
	s0 =	simm.s32 @p0 $0x1  }
0x13: {  	[smem:$0x3FB1] =	sst s0;
	s0 =	simm.s32 @!p1 $0x0  }
0x14: {  	s2 =	sld [smem:$0x3F95];
	s0 =	simm.s32 @p1 $0x1  }
0x15: {  	[smem:$0x3FB2] =	sst s0;
	s0 =	simm.s32 @!p2 $0x0  }
0x16: {  	s3 =	sld [smem:$0x3FDB];
	s0 =	simm.s32 @p2 $0x1  }
0x17: {  	s4 =	simm.s32 $0x1BF5;
	[smem:$0x3FB4] =	sst s0  }
0x18: {  	s0 =	sld [smem:$0x3F97];
	_ =	swait.ge [sflag:s4], $0x0  }
0x19: {  	s7 =	sld [smem:$0x3F98]  }
0x1a: {  	s8 =	sadd.s32 $0xFFFFE003, lr  }
0x1b: {  	s9 =	sadd.s32 $0xFFFFFEF7, lr;
	s5 =	simm.s32 $0xFFFFFFFF;
	p2 =	slt.u32 s8, $0xFFFFF086  }
0x1c: {  	p1 =	slt.u32 s9, $0xF7A;
	s5 =	simm.s32 @!p2 $0x0  }
0x1d: {  	s5 =	simm.s32 @p1 $0x1;
	p0 =	seq.s32 s7, s2  }
0x1e: {  	s7 =	smul.u32 @!p0 $0xF7A, s2;
	p2 =	seq.s32 @!p0 s5, $0x0  }
0x1f: {  	s9 =	smul.u32 $0xF7A, s1;
	s8 =	simm.s32 @!p0 $0x1BF5;
	p2 =	por !p2, p0  }
0x20: {  	[sflag:s8] =	ssyncset.s32 @!p0 $0xFFFFF086;
	s6 =	sadd.s32 @!p0 s3, s7;
	s7 =	simm.s32 @!p0 $0x108  }
0x21: {  	s3 =	sadd.s32 s3, s9;
	s6 =	sadd.s32 @!p0 $0x88, s6;
	s7 =	simm.s32 @p2 $0x1082  }
0x22: {  	[simem:s7], [sflag:s8] =	dma.local @!p0 [hbm:s6], $0xF7A  }
0x23: {  	s9 =	sor.u32 $0xD0000000, s2;
	s6 =	simm.s32 $0x108;
	_ =	swait.ge @!p0 [sflag:s8], $0x0  }
0x24: {  	s3 =	sadd.s32 $0x88, s3;
	s6 =	simm.s32 @!p1 $0x1082;
	[sflag:s4] =	ssyncset.s32 $0xFFFFF086  }
0x25: {  	[simem:s6], [sflag:s4] =	dma.local [hbm:s3], $0xF7A  }
0x26: {  	[smem:$0x3F98] =	sst s1;
	(tag) =	ssettag s2;
	_ =	strace s9  }
0x27: {  	s1 =	sld [smem:$0x3FA8]  }
0x28: {  	s2 =	sld [smem:$0x3FA9]  }
0x29: {  	s4 =	sld [smem:$0x3FAB]  }
0x2a: {  	p0 =	seq.s32 s5, $0x0;
	s5 =	sld [smem:$0x3FAC]  }
0x2b: {  	s6 =	sld [smem:$0x3FAD]  }
0x2c: {  	s7 =	sld [smem:$0x3FAE]  }
0x2d: {  	s3 =	simm.s32 $0x108;
	s8 =	sld [smem:$0x3FAF]  }
0x2e: {  	s3 =	simm.s32 @!p0 $0x1082;
	s9 =	sld [smem:$0x3FB0]  }
0x2f: {  	lr =	sadd.s32 s0, s3;
	s0 =	sld [smem:$0x3FA7]  }
0x30: {  	s3 =	sld [smem:$0x3FAA]  }
0x31: {  	[smem:$0x3FB3] =	sst s10  }
0x32: {  	s10 =	sld [smem:$0x3FB1];
	_ =	sdelay $0x3  }
0x33: {  	p0 =	seq.s32 s10, $0x1;
	s10 =	sld [smem:$0x3FB3];
	_ =	sdelay $0x3  }
0x34: {  	[smem:$0x3FB3] =	sst s10  }
0x35: {  	s10 =	sld [smem:$0x3FB2];
	_ =	sdelay $0x3  }
0x36: {  	p1 =	seq.s32 s10, $0x1;
	s10 =	sld [smem:$0x3FB3];
	_ =	sdelay $0x3  }
0x37: {  	[smem:$0x3FB3] =	sst s10  }
0x38: {  	s10 =	sld [smem:$0x3FB4]  }
0x39: {  	_ = 	snop;
	(pc) =	sbr.ind lr, $3  }
0x3a: {  	_ = 	snop  }
0x3b: {  	_ = 	snop  }
0x3c: {  	p2 =	seq.s32 s10, $0x1;
	s10 =	sld [smem:$0x3FB3]  }
0x3d: {  	_ =	shalt  }
0x3e: {  	_ =	shalt  }
0x3f: {  	_ =	shalt  }
0x40: {  	_ =	shalt  }
0x41: {  	_ =	shalt  }
0x42: {  	_ =	shalt  }
0x43: {  	_ =	shalt  }
0x44: {  	_ =	shalt  }
0x45: {  	_ =	shalt  }
0x46: {  	_ =	shalt  }
0x47: {  	_ =	shalt  }
0x48: {  	_ =	shalt  }
0x49: {  	_ =	shalt  }
0x4a: {  	_ =	shalt  }
0x4b: {  	_ =	shalt  }
0x4c: {  	_ =	shalt  }
0x4d: {  	_ =	shalt  }
0x4e: {  	_ =	shalt  }
0x4f: {  	_ =	shalt  }
0x50: {  	_ =	shalt  }
0x51: {  	_ =	shalt  }
0x52: {  	_ =	shalt  }
0x53: {  	_ =	shalt  }
0x54: {  	_ =	shalt  }
0x55: {  	_ =	shalt  }
0x56: {  	_ =	shalt  }
0x57: {  	_ =	shalt  }
0x58: {  	_ =	shalt  }
0x59: {  	_ =	shalt  }
0x5a: {  	_ =	shalt  }
0x5b: {  	_ =	shalt  }
0x5c: {  	_ =	shalt  }
0x5d: {  	_ =	shalt  }
0x5e: {  	_ =	shalt  }
0x5f: {  	_ =	shalt  }
0x60: {  	_ =	shalt  }
0x61: {  	_ =	shalt  }
0x62: {  	_ =	shalt  }
0x63: {  	_ =	shalt  }
0x64: {  	_ =	shalt  }
0x65: {  	_ =	shalt  }
0x66: {  	_ =	shalt  }
0x67: {  	_ =	shalt  }
0x68: {  	_ =	shalt  }
0x69: {  	_ =	shalt  }
0x6a: {  	_ =	shalt  }
0x6b: {  	_ =	shalt  }
0x6c: {  	_ =	shalt  }
0x6d: {  	_ =	shalt  }
0x6e: {  	_ =	shalt  }
0x6f: {  	_ =	shalt  }
0x70: {  	_ =	shalt  }
0x71: {  	_ =	shalt  }
0x72: {  	_ =	shalt  }
0x73: {  	_ =	shalt  }
0x74: {  	_ =	shalt  }
0x75: {  	_ =	shalt  }
0x76: {  	_ =	shalt  }
0x77: {  	_ =	shalt  }
0x78: {  	_ =	shalt  }
0x79: {  	_ =	shalt  }
0x7a: {  	_ =	shalt  }
0x7b: {  	_ =	shalt  }
0x7c: {  	_ =	shalt  }
0x7d: {  	_ =	shalt  }
0x7e: {  	_ =	shalt  }
0x7f: {  	_ =	shalt  }
0x80: {  	_ =	shalt  }
0x81: {  	_ =	shalt  }
0x82: {  	_ =	shalt  }
0x83: {  	_ =	shalt  }
0x84: {  	_ =	shalt  }
0x85: {  	_ =	shalt  }
0x86: {  	_ =	shalt  }
0x87: {  	_ =	shalt  }
.Lfunc_end0:
.L_simem_size_0:
called_computation_lowered:
.L_overlay_start_0:
0x88: {  	s2 =	sld [smem:$0x3FD9]  }
0x89: {  	s3 =	sld [smem:$0x3FFE];
	_ =	sdelay $0x1  }
0x8a: {  	s1 =	srdreg.scid  }
0x8b: {  	s0 =	sand.u32 $0x1, s1  }
0x8c: {  	s16 =	sshll.u32 s0, $0xA;
	s2 =	sadd.s32 s3, s2  }
0x8d: {  	s2 =	sadd.s32 s2, s16  }
0x8e: {  	[smem:$0x3FBF] =	sst s2  }
0x8f: {  	_ = 	snop  }
0x90: {  	(tm) =	ssettm $0x1  }
0x91: {  	s17 =	sld [smem:$0x3FFB];
	_ =	sdelay $0x3  }
0x92: {  	_ =	strace s17  }
0x93: {  	s2 =	sld [smem:$0x3FFC];
	_ =	sdelay $0x3  }
0x94: {  	_ =	strace s2  }
0x95: {  	s2 =	sld [smem:$0x3FFD];
	_ =	sdelay $0x3  }
0x96: {  	_ =	strace s2  }
0x97: {  	_ =	strace $0x8FFFFFFF  }
0x98: {  	s18 =	sld [smem:$0x3FDB];
	_ =	sdelay $0x1  }
0x99: {  	s19 =	simm.s32 $_scs_section_size  }
0x9a: {  	s4 =	simm.s32 $_size__tile_overlayer_lowered;
	s5 =	simm.s32 $_tile_overlayer_lowered  }
0x9b: {  	s22 =	simm.s32 $0x1BFF;
	s21 =	sshll.u32 s5, $0x1;
	s2 =	sadd.s32 s19, s18  }
0x9c: {  	s6 =	simm.s32 $0x0;
	s20 =	sshll.u32 s4, $0x1;
	s4 =	sadd.s32 s21, s2  }
0x9d: {  	[timem:s6], [sflag:s22] =	dma.local [hbm:s4], s20  }
0x9e: {  	_ =	swait.ge [sflag:s22], s20  }
0x9f: {  	s3 =	ssub.s32 $0x0, s20;
	[sflag:s22] =	ssyncset.done $0x0  }
0xa0: {  	[sflag:s22] =	ssyncadd.s32 s3;
	_ =	sdelay $0x1  }
0xa1: {  	s23 =	simm.s32 $0x1B8B  }
0xa2: {  	_ =	swait.ge [sflag:s23], $0x1  }
0xa3: {  	[sflag:s23] =	ssyncset.done $0x0  }
0xa4: {  	s25 =	simm.s32 $0x1B8E;
	s24 =	sld [smem:$0x3FFE];
	[sflag:s23] =	ssyncadd.s32 $0xFFFFFFFF  }
0xa5: {  	s26 =	simm.s32 $execute0_lowered;
	[smem:$0x3FD2] =	sst s25  }
0xa6: {  	s4 =	sshll.u32 s26, $0x1;
	_ =	strace $0x80000046;
	[dreg:$0x1] =	wrdreg $0xFFFFFFFF  }
0xa7: {  	s28 =	simm.s32 $_size_execute0_lowered;
	s2 =	sadd.s32 s2, s4;
	[dreg:$0x0] =	wrdreg $0x0  }
0xa8: {  	s4 =	sshll.u32 s28, $0x1;
	[dreg:$0x2] =	wrdreg s2  }
0xa9: {  	[dreg:$0x3] =	wrdreg s4  }
0xaa: {  	[dreg:$0x4] =	wrdreg $0xC0  }
0xab: {  	_ =	task [dreg:s6], $0x5FFFF  }
0xac: {  	[dreg:$0x1] =	wrdreg $0xFFFFFFFF  }
0xad: {  	[dreg:$0x0] =	wrdreg $0x60  }
0xae: {  	[dreg:$0x2] =	wrdreg s24  }
0xaf: {  	[dreg:$0x3] =	wrdreg $0x9  }
0xb0: {  	_ =	task.clear_ibuf [dreg:s6], $0x4FFFF;
	_ =	strace $0x90000046  }
0xb1: {  	s29 =	simm.s32 $0x9;
	_ =	strace $0x80000048  }
0xb2: {  	_ =	swait.ge [sflag:s29], $0x1  }
0xb3: {  	[sflag:s29] =	ssyncadd.s32 $0xFFFFFFFF  }
0xb4: {  	_ =	strace $0x90000048  }
0xb5: {  	_ =	sfence  }
0xb6: {  	s30 =	sld [smem:$0x0];
	_ =	sdelay $0x2  }
0xb7: {  	s31 =	sshll.u32 s1, $0xD;
	s1 =	sshrl.u32 s1, $0x2  }
0xb8: {  	s3 =	sand.u32 $0x4000, s31;
	s1 =	sadd.s32 s1, s30  }
0xb9: {  	s0 =	sor.u32 s3, s0;
	s1 =	sshll.u32 s1, $0x11  }
0xba: {  	s0 =	sor.u32 s1, s0  }
0xbb: {  	s0 =	sadd.s32 $0x8F2B, s0  }
0xbc: {  	[sflag:s0] =	ssyncadd.remote.s32 $0x1  }
0xbd: {  	_ =	sfence.sel $0xFFFF  }
0xbe: {  	[dreg:$0x0] =	wrdreg $0xFFFFFFFF;
	(pc) =	sbr.abs _section_cstart, $3  }
0xbf: {  	[dreg:$0x1] =	wrdreg $0xFFFFFFFF  }
0xc0: {  	_ =	task.clear_ibuf [dreg:s6], $0x2FFFF;
	_ =	strace $0x9FFFFFFF  }
0xc1: {  	(tm) =	ssettm $0x7FFFFFFF  }
tec
execute0_lowered:
.L_overlay_start_1:
0x0: {  	(tag) =	ssettag $0x1  }
0x1: {  	s6 =	rddreg [dreg:$0x0];
	s2 =	srdreg.scid  }
0x2: {  	s0 =	rddreg [dreg:$0x1];
	s1 =	stileid.u32  }
0x3: {  	s11 =	simm.s32 $0x4000;
	s12 =	simm.s32 $0x8000;
	s13 =	simm.s32 $0xC000  }
0x4: {  	s14 =	simm.s32 $0xC200;
	s15 =	simm.s32 $0x80;
	s16 =	simm.s32 $0x400  }
0x5: {  	s3 =	sand.u32 $0x1, s2;
	s2 =	simm.s32 $0x0;
	s4 =	sshll.u32 s1, $0x2  }
0x6: {  	s31 =	sshll.u32 s1, $0x8;
	s5 =	sshll.u32 s3, $0x1;
	[smem:$0x7FF] =	sst s2  }
0x7: {  	s8 =	ssub.s32 $0x2, s3;
	s3 =	sadd.s32 $0x8A00, s6;
	s5 =	sor.u32 s5, s4  }
0x8: {  	_ =	strace $0x80000047;
	s9 =	sshrl.u32 s8, $0x1;
	s7 =	sshll.u32 s5, $0x4  }
0x9: {  	s4 =	sand.u32 $0xE00, s31;
	s9 =	ssub.s32 s8, s9;
	s7 =	sand.u32 $0x60, s7  }
0xa: {  	s5 =	sshll.u32 s5, $0xD;
	s9 =	smax.u32 s9, $0x1;
	s7 =	sor.u32 s4, s7  }
0xb: {  	s4 =	sadd.s32 $0x88A00, s6;
	s10 =	sadd.s32 s7, s6;
	s6 =	sadd.s32 $0xAA00, s6  }
0xc: {  	v0 =	vimm.f32 $0.0e+00;
	s7 =	sadd.s32 $0x8AA00, s10;
	s8 =	sadd.s32 $0x8AA10, s10;
	s10 =	simm.s32 $0x1  }
.LBB2_1:
0xd: {  	s17 =	simm.s32 $0x40;
	s18 =	simm.s32 $0x0  }
.LBB2_2:
0xe: {  	p0 =	sne.s32 s17, $0x7C0;
	[tilespmem:s18+$0xC000] =	vst v0;
	s19 =	smov.u32 s17;
	s17 =	sadd.s32 $0x40, s17  }
.Ltmp0:
0xf: {  	[tilespmem:s18+$0xC200] =	vst v0;
	(pc) =	sbr.rel @p0 .LBB2_2-.Ltmp0, $2  }
0x10: {  	_ =	sdelay $0x2  }
0x11: {  	s18 =	sshra.s32 s19, $0x2  }
0x12: {  	[tilespmem:s18+$0xC000] =	vst v0  }
0x13: {  	s17 =	simm.s32 $0x0;
	[tilespmem:s18+$0xC200] =	vst v0;
	s18 =	simm.s32 $0x0  }
.LBB2_4:
0x14: {  	s19 =	sshll.u32 s18, $0xB  }
0x15: {  	s20 =	sadd.s32 s4, s19  }
0x16: {  	[tilespmem:s17], [sflag:$0x1] =	stream.linear.gather [hbm4b:s20+s17], $0x4000, $0x38;
	[tilespmem:$0xC400] =	vst v63  }
0x17: {  	_ =	swait.ge [sflag:s10], $0x4000  }
0x18: {  	s19 =	sadd.s32 s5, s19;
	[sflag:s10] =	ssyncset.done $0x0  }
0x19: {  	s31 =	sadd.s32 s3, s19;
	[sflag:s10] =	ssyncadd.s32 $0xFFFFC000  }
0x1a: {  	[tilespmem:s11], [sflag:$0x1] =	stream.linear.gather [hbm4b:s31+s17], $0x4000, $0x38;
	[tilespmem:$0xC400] =	vst v63  }
0x1b: {  	_ =	swait.ge [sflag:s10], $0x4000  }
0x1c: {  	[sflag:s10] =	ssyncset.done $0x0  }
0x1d: {  	s19 =	sadd.s32 s19, s6;
	[sflag:s10] =	ssyncadd.s32 $0xFFFFC000  }
0x1e: {  	[tilespmem:s12], [sflag:$0x1] =	stream.linear.gather [hbm4b:s19+s17], $0x4000, $0x38;
	[tilespmem:$0xC400] =	vst v63  }
0x1f: {  	_ =	swait.ge [sflag:s10], $0x4000  }
0x20: {  	[sflag:s10] =	ssyncset.done $0x0  }
0x21: {  	s20 =	simm.s32 $0x0;
	s19 =	simm.s32 $0x0;
	[sflag:s10] =	ssyncadd.s32 $0xFFFFC000  }
.LBB2_5:
0x22: {  	s21 =	sand.u32 $0x3800, s20;
	s22 =	sand.u32 $0x380, s19  }
0x23: {  	s21 =	sor.u32 s22, s21  }
0x24: {  	v1 =	vld [tilespmem:s21+$0x0];
	_ =	sdelay $0x2  }
0x25: {  	v2 =	vld [tilespmem:s21+$0x4000];
	_ =	sdelay $0x4  }
0x26: {  	[tilespmem:v1+s13+$0x0] =	vst.idx.add.f32.msk $0xffff, v2  }
0x27: {  	v2 =	vld [tilespmem:s21+$0x8000];
	_ =	sdelay $0x4  }
0x28: {  	[tilespmem:v1+s14+$0x0] =	vst.idx.add.f32.msk $0xffff, v2  }
0x29: {  	v1 =	vld [tilespmem:s21+$0x10];
	_ =	sdelay $0x2  }
0x2a: {  	v2 =	vld [tilespmem:s21+$0x4010];
	_ =	sdelay $0x4  }
0x2b: {  	[tilespmem:v1+s13+$0x0] =	vst.idx.add.f32.msk $0xffff, v2  }
0x2c: {  	v2 =	vld [tilespmem:s21+$0x8010];
	_ =	sdelay $0x4  }
0x2d: {  	[tilespmem:v1+s14+$0x0] =	vst.idx.add.f32.msk $0xffff, v2  }
0x2e: {  	v1 =	vld [tilespmem:s21+$0x20];
	_ =	sdelay $0x2  }
0x2f: {  	v2 =	vld [tilespmem:s21+$0x4020];
	_ =	sdelay $0x4  }
0x30: {  	[tilespmem:v1+s13+$0x0] =	vst.idx.add.f32.msk $0xffff, v2  }
0x31: {  	v2 =	vld [tilespmem:s21+$0x8020];
	_ =	sdelay $0x4  }
0x32: {  	[tilespmem:v1+s14+$0x0] =	vst.idx.add.f32.msk $0xffff, v2  }
0x33: {  	v1 =	vld [tilespmem:s21+$0x30];
	_ =	sdelay $0x2  }
0x34: {  	v2 =	vld [tilespmem:s21+$0x4030];
	_ =	sdelay $0x4  }
0x35: {  	[tilespmem:v1+s13+$0x0] =	vst.idx.add.f32.msk $0xffff, v2  }
0x36: {  	v2 =	vld [tilespmem:s21+$0x8030];
	_ =	sdelay $0x4  }
0x37: {  	[tilespmem:v1+s14+$0x0] =	vst.idx.add.f32.msk $0xffff, v2  }
0x38: {  	v1 =	vld [tilespmem:s21+$0x40];
	_ =	sdelay $0x2  }
0x39: {  	v2 =	vld [tilespmem:s21+$0x4040];
	_ =	sdelay $0x4  }
0x3a: {  	[tilespmem:v1+s13+$0x0] =	vst.idx.add.f32.msk $0xffff, v2  }
0x3b: {  	v2 =	vld [tilespmem:s21+$0x8040];
	_ =	sdelay $0x4  }
0x3c: {  	[tilespmem:v1+s14+$0x0] =	vst.idx.add.f32.msk $0xffff, v2  }
0x3d: {  	v1 =	vld [tilespmem:s21+$0x50];
	_ =	sdelay $0x2  }
0x3e: {  	v2 =	vld [tilespmem:s21+$0x4050];
	_ =	sdelay $0x4  }
0x3f: {  	[tilespmem:v1+s13+$0x0] =	vst.idx.add.f32.msk $0xffff, v2  }
0x40: {  	v2 =	vld [tilespmem:s21+$0x8050];
	_ =	sdelay $0x4  }
0x41: {  	[tilespmem:v1+s14+$0x0] =	vst.idx.add.f32.msk $0xffff, v2  }
0x42: {  	v1 =	vld [tilespmem:s21+$0x60];
	_ =	sdelay $0x2  }
0x43: {  	v2 =	vld [tilespmem:s21+$0x4060];
	_ =	sdelay $0x4  }
0x44: {  	[tilespmem:v1+s13+$0x0] =	vst.idx.add.f32.msk $0xffff, v2  }
0x45: {  	v2 =	vld [tilespmem:s21+$0x8060];
	_ =	sdelay $0x4  }
0x46: {  	[tilespmem:v1+s14+$0x0] =	vst.idx.add.f32.msk $0xffff, v2  }
0x47: {  	v1 =	vld [tilespmem:s21+$0x70];
	_ =	sdelay $0x2  }
0x48: {  	v2 =	vld [tilespmem:s21+$0x4070];
	_ =	sdelay $0x4  }
0x49: {  	[tilespmem:v1+s13+$0x0] =	vst.idx.add.f32.msk $0xffff, v2  }
0x4a: {  	v2 =	vld [tilespmem:s21+$0x8070];
	_ =	sdelay $0x4  }
0x4b: {  	[tilespmem:v1+s14+$0x0] =	vst.idx.add.f32.msk $0xffff, v2  }
0x4c: {  	v1 =	vld [tilespmem:s21+$0x400];
	_ =	sdelay $0x2  }
0x4d: {  	v2 =	vld [tilespmem:s21+$0x4400];
	_ =	sdelay $0x4  }
0x4e: {  	[tilespmem:v1+s13+$0x0] =	vst.idx.add.f32.msk $0xffff, v2  }
0x4f: {  	v2 =	vld [tilespmem:s21+$0x8400];
	_ =	sdelay $0x4  }
0x50: {  	[tilespmem:v1+s14+$0x0] =	vst.idx.add.f32.msk $0xffff, v2  }
0x51: {  	v1 =	vld [tilespmem:s21+$0x410];
	_ =	sdelay $0x2  }
0x52: {  	v2 =	vld [tilespmem:s21+$0x4410];
	_ =	sdelay $0x4  }
0x53: {  	[tilespmem:v1+s13+$0x0] =	vst.idx.add.f32.msk $0xffff, v2  }
0x54: {  	v2 =	vld [tilespmem:s21+$0x8410];
	_ =	sdelay $0x4  }
0x55: {  	[tilespmem:v1+s14+$0x0] =	vst.idx.add.f32.msk $0xffff, v2  }
0x56: {  	v1 =	vld [tilespmem:s21+$0x420];
	_ =	sdelay $0x2  }
0x57: {  	v2 =	vld [tilespmem:s21+$0x4420];
	_ =	sdelay $0x4  }
0x58: {  	[tilespmem:v1+s13+$0x0] =	vst.idx.add.f32.msk $0xffff, v2  }
0x59: {  	v2 =	vld [tilespmem:s21+$0x8420];
	_ =	sdelay $0x4  }
0x5a: {  	[tilespmem:v1+s14+$0x0] =	vst.idx.add.f32.msk $0xffff, v2  }
0x5b: {  	v1 =	vld [tilespmem:s21+$0x430];
	_ =	sdelay $0x2  }
0x5c: {  	v2 =	vld [tilespmem:s21+$0x4430];
	_ =	sdelay $0x4  }
0x5d: {  	[tilespmem:v1+s13+$0x0] =	vst.idx.add.f32.msk $0xffff, v2  }
0x5e: {  	v2 =	vld [tilespmem:s21+$0x8430];
	_ =	sdelay $0x4  }
0x5f: {  	[tilespmem:v1+s14+$0x0] =	vst.idx.add.f32.msk $0xffff, v2  }
0x60: {  	v1 =	vld [tilespmem:s21+$0x440];
	_ =	sdelay $0x2  }
0x61: {  	v2 =	vld [tilespmem:s21+$0x4440];
	_ =	sdelay $0x4  }
0x62: {  	[tilespmem:v1+s13+$0x0] =	vst.idx.add.f32.msk $0xffff, v2  }
0x63: {  	v2 =	vld [tilespmem:s21+$0x8440];
	_ =	sdelay $0x4  }
0x64: {  	[tilespmem:v1+s14+$0x0] =	vst.idx.add.f32.msk $0xffff, v2  }
0x65: {  	v1 =	vld [tilespmem:s21+$0x450];
	_ =	sdelay $0x2  }
0x66: {  	v2 =	vld [tilespmem:s21+$0x4450];
	_ =	sdelay $0x4  }
0x67: {  	[tilespmem:v1+s13+$0x0] =	vst.idx.add.f32.msk $0xffff, v2  }
0x68: {  	v2 =	vld [tilespmem:s21+$0x8450];
	_ =	sdelay $0x4  }
0x69: {  	[tilespmem:v1+s14+$0x0] =	vst.idx.add.f32.msk $0xffff, v2  }
0x6a: {  	v1 =	vld [tilespmem:s21+$0x460];
	_ =	sdelay $0x2  }
0x6b: {  	v2 =	vld [tilespmem:s21+$0x4460];
	_ =	sdelay $0x4  }
0x6c: {  	[tilespmem:v1+s13+$0x0] =	vst.idx.add.f32.msk $0xffff, v2  }
0x6d: {  	v2 =	vld [tilespmem:s21+$0x8460];
	_ =	sdelay $0x4  }
0x6e: {  	[tilespmem:v1+s14+$0x0] =	vst.idx.add.f32.msk $0xffff, v2  }
0x6f: {  	v1 =	vld [tilespmem:s21+$0x470];
	_ =	sdelay $0x2  }
0x70: {  	v2 =	vld [tilespmem:s21+$0x4470];
	_ =	sdelay $0x4  }
0x71: {  	[tilespmem:v1+s13+$0x0] =	vst.idx.add.f32.msk $0xffff, v2  }
0x72: {  	p0 =	sne.s32 s20, $0x3F00;
	v2 =	vld [tilespmem:s21+$0x8470]  }
.Ltmp1:
0x73: {  	_ = 	snop;
	(pc) =	sbr.rel @p0 .LBB2_5-.Ltmp1, $2  }
0x74: {  	_ =	sdelay $0x2  }
0x75: {  	s19 =	sadd.s32 $0x80, s19;
	s20 =	sadd.s32 $0x100, s20;
	[tilespmem:v1+s14+$0x0] =	vst.idx.add.f32.msk $0xffff, v2  }
0x76: {  	s18 =	sadd.s32 $0x1, s18  }
0x77: {  	p0 =	sne.s32 s18, $0x4  }
.Ltmp2:
0x78: {  	_ = 	snop;
	(pc) =	sbr.rel @p0 .LBB2_4-.Ltmp2, $1  }
0x79: {  	_ =	sdelay $0x3  }
0x7a: {  	[hbm4b:s7+s15] =	stream.strided.scatter [tilespmem:s13], [sflag:$0x1], $0x200, s16, s15, $0x38;
	[tilespmem:$0xC400] =	vst v63  }
0x7b: {  	s2 =	sadd.s32 $0x1, s2;
	_ =	swait.ge [sflag:s10], $0x200  }
0x7c: {  	p0 =	sne.s32 s2, s9;
	[sflag:s10] =	ssyncset.done $0x0  }
.Ltmp3:
0x7d: {  	[sflag:s10] =	ssyncadd.s32 $0xFFFFFE00;
	(pc) =	sbr.rel @p0 .LBB2_1-.Ltmp3, $4  }
0x7e: {  	[hbm4b:s8+s15] =	stream.strided.scatter [tilespmem:s14], [sflag:$0x1], $0x200, s16, s15, $0x38;
	[tilespmem:$0xC400] =	vst v63  }
0x7f: {  	_ =	swait.ge [sflag:s10], $0x200  }
0x80: {  	[sflag:s10] =	ssyncset.done $0x0  }
0x81: {  	[sflag:s10] =	ssyncadd.s32 $0xFFFFFE00  }
0x82: {  	_ =	sfence.sel $0x180000  }
0x83: {  	[bflag:$0x0] =	sbarrier.arrive $0xFFFF  }
0x84: {  	p0 =	sne.s32 s1, $0x0;
	_ =	strace $0x90000047  }
0x85: {  	s0 =	sadd.s32 @!p0 $0x100000, s0;
	[bflag:$0x2] =	sbarrier.arrive $0xFFFF  }
0x86: {  	[sflag:s0] =	ssyncadd.tile.s32 @!p0 $0x1;
	_ =	shalt  }
.Lfunc_end2:
_tile_overlayer_lowered:
.L_overlay_start_2:
0x87: {  	(tag) =	ssettag $0x2  }
0x88: {  	s0 =	rddreg [dreg:$0x0];
	s2 =	stileid.u32  }
0x89: {  	s1 =	rddreg [dreg:$0x1];
	p0 =	sne.s32 s2, $0x0  }
0x8a: {  	s3 =	rddreg [dreg:$0x2];
	[bflag:$0x3] =	sbarrier.arrive $0xFFFF;
	s2 =	simm.s32 @!p0 $0x1C01  }
0x8b: {  	[timem:s3], [sflag:s2] =	dma.local @!p0 [hbm:s0], s1  }
0x8c: {  	s0 =	simm.s32 @!p0 $0x1  }
0x8d: {  	_ =	swait.ge @!p0 [sflag:s0], s1  }
0x8e: {  	s1 =	ssub.s32 @!p0 $0x0, s1;
	[sflag:s0] =	ssyncset.done @!p0 $0x0  }
0x8f: {  	[sflag:s0] =	ssyncadd.s32 @!p0 s1  }
0x90: {  	[bflag:$0x3] =	sbarrier.arrive $0xFFFF  }
0x91: {  	_ =	shalt  }

</sc_bundles>
